<compile_context>
chip_gen: v7x
topology: tpu7x:2x2x1
jax: 0.10.2.dev20260603
libtpu: 0.0.44.dev20260713+nightly
codegen_flags: <defaults>
</compile_context>

<pallas_src>
import functools

import jax
import jax.numpy as jnp
from jax import lax
from jax.experimental import pallas as pl
from jax.experimental.pallas import tpu as pltpu
from jax.experimental.pallas import tpu_sc as plsc

KNN = 32
EPS = 1e-5



def _knn_body(pq_ref, bq_ref, pc_ref, bc_ref, ball_ref, out_ref, *, T, Q):
    pq = pq_ref[...]
    qx = pq[0:1, :]
    qy = pq[1:2, :]
    qz = pq[2:3, :]
    bq = bq_ref[...]
    b_all = ball_ref[...]
    min_b = jnp.min(bq)
    max_b = jnp.max(bq)
    lo = jnp.sum((b_all < min_b).astype(jnp.int32))
    hi = jnp.sum((b_all <= max_b).astype(jnp.int32))
    lo8 = (lo // 8) * 8
    nt = (hi - lo8 + T - 1) // T
    inf = jnp.float32(jnp.inf)

    def tile_body(t, carry):
        run_d, run_i = carry
        off = lo8 + t * T
        pc = pc_ref[pl.ds(off, T), :]
        cb = bc_ref[pl.ds(off, T), :]
        dx = pc[:, 0:1] - qx
        dy = pc[:, 1:2] - qy
        dz = pc[:, 2:3] - qz
        d2 = (dx * dx + dy * dy) + dz * dz
        d2 = jnp.where(cb == bq, d2, inf)
        gi = lax.broadcasted_iota(jnp.int32, (T, Q), 0) + off
        ws_d = jnp.concatenate([run_d, d2], axis=0)
        ws_i = jnp.concatenate([run_i, gi], axis=0)
        rows_d = []
        rows_i = []
        big = jnp.int32(2 ** 30)
        for _ in range(KNN):
            m = jnp.min(ws_d, axis=0, keepdims=True)
            imin = jnp.min(jnp.where(ws_d == m, ws_i, big), axis=0,
                           keepdims=True)
            rows_d.append(m)
            rows_i.append(imin)
            ws_d = jnp.where(ws_i == imin, inf, ws_d)
        return (jnp.concatenate(rows_d, axis=0),
                jnp.concatenate(rows_i, axis=0))

    run_d = jnp.full((KNN, Q), inf, jnp.float32)
    run_i = lax.broadcasted_iota(jnp.int32, (KNN, Q), 0) - KNN
    _, run_i = lax.fori_loop(0, nt, tile_body, (run_d, run_i))
    out_ref[...] = run_i


def _knn(p_pad, b_col, p_t, b_row, npad, Q=512, T=512):
    grid = npad // Q
    npad2 = npad + T
    return pl.pallas_call(
        functools.partial(_knn_body, T=T, Q=Q),
        grid=(grid,),
        in_specs=[
            pl.BlockSpec((3, Q), lambda i: (0, i)),
            pl.BlockSpec((1, Q), lambda i: (0, i)),
            pl.BlockSpec((npad2, 3), lambda i: (0, 0)),
            pl.BlockSpec((npad2, 1), lambda i: (0, 0)),
            pl.BlockSpec((1, npad), lambda i: (0, 0)),
        ],
        out_specs=pl.BlockSpec((KNN, Q), lambda i: (0, i)),
        out_shape=jax.ShapeDtypeStruct((KNN, npad), jnp.int32),
    )(p_t, b_row, p_pad, b_col, b_row)



def _uz_body(p_ref, x_ref, w1a_ref, w1b_ref, b1_ref, u_ref, z_ref):
    p = p_ref[...]
    w1a = w1a_ref[...]
    t = (p[:, 0:1] * w1a[0:1, :] + p[:, 1:2] * w1a[1:2, :]
         + p[:, 2:3] * w1a[2:3, :])
    u_ref[...] = t + jnp.dot(x_ref[...], w1b_ref[...],
                             preferred_element_type=jnp.float32)
    z_ref[...] = t - b1_ref[...]


def _uz(p, x, w1a, w1b, b1, n, c, BQ=400):
    grid = n // BQ
    return pl.pallas_call(
        _uz_body,
        grid=(grid,),
        in_specs=[
            pl.BlockSpec((BQ, 3), lambda i: (i, 0)),
            pl.BlockSpec((BQ, c), lambda i: (i, 0)),
            pl.BlockSpec((3, 128), lambda i: (0, 0)),
            pl.BlockSpec((c, 128), lambda i: (0, 0)),
            pl.BlockSpec((1, 128), lambda i: (0, 0)),
        ],
        out_specs=[
            pl.BlockSpec((BQ, 128), lambda i: (i, 0)),
            pl.BlockSpec((BQ, 128), lambda i: (i, 0)),
        ],
        out_shape=[
            jax.ShapeDtypeStruct((n, 128), jnp.float32),
            jax.ShapeDtypeStruct((n, 128), jnp.float32),
        ],
    )(p, x, w1a, w1b, b1)



def _sc_gather(u, col_flat, E, D):
    info = plsc.get_sparse_core_info()
    nw = info.num_cores * info.num_subcores
    per_w = E // nw
    CH = 200
    n_pair = per_w // (2 * CH)
    mesh = plsc.VectorSubcoreMesh(core_axis_name="c", subcore_axis_name="s")

    @functools.partial(
        pl.kernel,
        mesh=mesh,
        out_type=jax.ShapeDtypeStruct((E, D), jnp.float32),
        scratch_types=[
            pltpu.VMEM((CH,), jnp.int32),
            pltpu.VMEM((CH,), jnp.int32),
            pltpu.VMEM((CH, D), jnp.float32),
            pltpu.VMEM((CH, D), jnp.float32),
            pltpu.SemaphoreType.DMA,
            pltpu.SemaphoreType.DMA,
        ],
    )
    def gk(u_hbm, idx_hbm, out_hbm, iv0, iv1, rv0, rv1, s0, s1):
        wid = lax.axis_index("s") * info.num_cores + lax.axis_index("c")
        base = wid * per_w

        pltpu.sync_copy(idx_hbm.at[pl.ds(base, CH)], iv0)
        pltpu.async_copy(u_hbm.at[iv0], rv0, s0)

        def body(g, carry):
            a = base + 2 * g * CH
            bo = a + CH
            pltpu.sync_copy(idx_hbm.at[pl.ds(bo, CH)], iv1)
            h1 = pltpu.async_copy(u_hbm.at[iv1], rv1, s1)
            pltpu.make_async_copy(u_hbm.at[iv0], rv0, s0).wait()
            pltpu.sync_copy(rv0, out_hbm.at[pl.ds(a, CH)])

            @pl.when(g < n_pair - 1)
            def _():
                nxt = bo + CH
                pltpu.sync_copy(idx_hbm.at[pl.ds(nxt, CH)], iv0)
                pltpu.async_copy(u_hbm.at[iv0], rv0, s0)

            h1.wait()
            pltpu.sync_copy(rv1, out_hbm.at[pl.ds(bo, CH)])
            return carry

        lax.fori_loop(0, n_pair, body, 0)

    return gk(u, col_flat)



def _stats1_body(g_ref, z_ref, s_ref, ss_ref):
    bq = g_ref.shape[0]
    h = g_ref[...] - z_ref[...][:, None, :]
    h = h.reshape(bq * KNN, 128)

    @pl.when(pl.program_id(0) == 0)
    def _():
        s_ref[...] = jnp.zeros_like(s_ref)
        ss_ref[...] = jnp.zeros_like(ss_ref)

    s_ref[...] += jnp.sum(h, axis=0)[None, :]
    ss_ref[...] += jnp.sum(h * h, axis=0)[None, :]


def _bn_coeffs(s_ref, ss_ref, g_ref, be_ref, n_edges):
    mu = s_ref[...] / n_edges
    var = ss_ref[...] / n_edges - mu * mu
    sc = g_ref[...] * lax.rsqrt(var + EPS)
    return sc, be_ref[...] - mu * sc


def _stats2_body(g_ref, z_ref, s1_ref, ss1_ref, g1_ref, be1_ref,
                 w2_ref, b2_ref, s_ref, ss_ref, *, n_edges):
    bq = g_ref.shape[0]
    sc1, sh1 = _bn_coeffs(s1_ref, ss1_ref, g1_ref, be1_ref, n_edges)
    h = g_ref[...] - z_ref[...][:, None, :]
    h = h.reshape(bq * KNN, 128)
    a = jnp.maximum(h * sc1 + sh1, 0.0)
    h2 = jnp.dot(a, w2_ref[...], preferred_element_type=jnp.float32)
    h2 = h2 + b2_ref[...]

    @pl.when(pl.program_id(0) == 0)
    def _():
        s_ref[...] = jnp.zeros_like(s_ref)
        ss_ref[...] = jnp.zeros_like(ss_ref)

    s_ref[...] += jnp.sum(h2, axis=0)[None, :]
    ss_ref[...] += jnp.sum(h2 * h2, axis=0)[None, :]


def _final_body(g_ref, z_ref, s1_ref, ss1_ref, g1_ref, be1_ref,
                w2_ref, b2_ref, s2_ref, ss2_ref, g2_ref, be2_ref,
                out_ref, *, n_edges):
    bq = g_ref.shape[0]
    sc1, sh1 = _bn_coeffs(s1_ref, ss1_ref, g1_ref, be1_ref, n_edges)
    sc2, sh2 = _bn_coeffs(s2_ref, ss2_ref, g2_ref, be2_ref, n_edges)
    h = g_ref[...] - z_ref[...][:, None, :]
    h = h.reshape(bq * KNN, 128)
    a = jnp.maximum(h * sc1 + sh1, 0.0)
    h2 = jnp.dot(a, w2_ref[...], preferred_element_type=jnp.float32)
    a2 = jnp.maximum((h2 + b2_ref[...]) * sc2 + sh2, 0.0)
    out_ref[...] = jnp.max(a2.reshape(bq, KNN, 128), axis=1)


def _run_passes(g3, z, g1, be1, w2, b2, g2, be2, n, BQ=400):
    grid = n // BQ
    n_edges = float(n * KNN)
    vec = pl.BlockSpec((1, 128), lambda i: (0, 0))
    g_spec = pl.BlockSpec((BQ, KNN, 128), lambda i: (i, 0, 0))
    z_spec = pl.BlockSpec((BQ, 128), lambda i: (i, 0))
    w_spec = pl.BlockSpec((128, 128), lambda i: (0, 0))
    acc = jax.ShapeDtypeStruct((1, 128), jnp.float32)

    s1, ss1 = pl.pallas_call(
        _stats1_body,
        grid=(grid,),
        in_specs=[g_spec, z_spec],
        out_specs=[vec, vec],
        out_shape=[acc, acc],
    )(g3, z)

    s2, ss2 = pl.pallas_call(
        functools.partial(_stats2_body, n_edges=n_edges),
        grid=(grid,),
        in_specs=[g_spec, z_spec, vec, vec, vec, vec, w_spec, vec],
        out_specs=[vec, vec],
        out_shape=[acc, acc],
    )(g3, z, s1, ss1, g1, be1, w2, b2)

    return pl.pallas_call(
        functools.partial(_final_body, n_edges=n_edges),
        grid=(grid,),
        in_specs=[g_spec, z_spec, vec, vec, vec, vec, w_spec, vec,
                  vec, vec, vec, vec],
        out_specs=pl.BlockSpec((BQ, 128), lambda i: (i, 0)),
        out_shape=jax.ShapeDtypeStruct((n, 128), jnp.float32),
    )(g3, z, s1, ss1, g1, be1, w2, b2, s2, ss2, g2, be2)



def kernel(p, x, b, W1, bias1, g1, be1, W2, bias2, g2, be2):
    n, c = x.shape
    bi = b.astype(jnp.int32)
    npad = ((n + 511) // 512) * 512
    pad = npad - n

    p_pad = jnp.pad(p, ((0, pad + 512), (0, 0)))
    b_pad = jnp.pad(bi, (0, pad + 512), constant_values=127)
    col = _knn(p_pad, b_pad[:, None], p_pad[:npad].T, b_pad[None, :npad],
               npad)[:, :n].T

    row_vec = lambda v: v[None, :]
    u, z = _uz(p, x, W1[:3], W1[3:], row_vec(bias1), n, c)

    e = n * KNN
    g = _sc_gather(u, col.reshape(e), e, 128)
    g3 = g.reshape(n, KNN, 128)

    x_agg = _run_passes(g3, z, row_vec(g1), row_vec(be1), W2,
                        row_vec(bias2), row_vec(g2), row_vec(be2), n)
    return (p, x_agg, b)

# --- scband reference (transcript-rebuilt; emitter-appended) ---
"""Pipeline reference for scband-set-abstraction-py-g-13237089206886 (READ-ONLY COPY).

The authoritative reference and input builder live on the scoring server;
editing this copy changes nothing except your own understanding.
"""

import jax, jax.numpy as jnp
import numpy as np

K = 32
EPS = 1e-5


def knn_edges(p, b, k):
    # PyG-style knn(x=p_support, y=p_query, k, b, b): for each query point,
    # find k nearest support points within the same batch (self included).
    N = p.shape[0]
    rows = []
    cols = []
    chunk = 2000
    for s in range(0, N, chunk):
        pq = p[s:s + chunk]
        bq = b[s:s + chunk]
        d2 = jnp.sum((pq[:, None, :] - p[None, :, :]) ** 2, axis=-1)
        mask = bq[:, None] != b[None, :]
        d2 = jnp.where(mask, jnp.inf, d2)
        _, idx = jax.lax.top_k(-d2, k)
        rows.append(jnp.repeat(jnp.arange(s, s + pq.shape[0]), k))
        cols.append(idx.reshape(-1))
    row = jnp.concatenate(rows)
    col = jnp.concatenate(cols)
    return row, col


def bn1d(h, gamma, beta):
    # BatchNorm1d in training mode: biased batch statistics over dim 0
    mu = jnp.mean(h, axis=0)
    var = jnp.var(h, axis=0)
    return (h - mu) / jnp.sqrt(var + EPS) * gamma + beta


def setup_inputs(seed: int = 0) -> dict:
    key = jax.random.key(seed)
    ks = jax.random.split(key, 12)
    N, C = 10000, 128
    p = jax.random.normal(ks[0], (N, 3), dtype=jnp.float32)
    x = jax.random.normal(ks[1], (N, C), dtype=jnp.float32)
    b = jnp.sort(jax.random.randint(ks[2], (N,), 0, 4, dtype=jnp.int64))
    c_in = C + 3  # 131
    W1 = jax.random.normal(ks[3], (c_in, 128), dtype=jnp.float32) / np.sqrt(c_in)
    bias1 = jnp.zeros((128,), dtype=jnp.float32)
    g1 = jnp.ones((128,), dtype=jnp.float32)
    be1 = jnp.zeros((128,), dtype=jnp.float32)
    W2 = jax.random.normal(ks[4], (128, 128), dtype=jnp.float32) / np.sqrt(128.0)
    bias2 = jnp.zeros((128,), dtype=jnp.float32)
    g2 = jnp.ones((128,), dtype=jnp.float32)
    be2 = jnp.zeros((128,), dtype=jnp.float32)
    return {"p": p, "x": x, "b": b, "W1": W1, "bias1": bias1, "g1": g1,
            "be1": be1, "W2": W2, "bias2": bias2, "g2": g2, "be2": be2}


def reference(p, x, b, W1, bias1, g1, be1, W2, bias2, g2, be2):
    # stride == 1 -> no downsampling: new_p = p, new_b = b
    N = p.shape[0]
    row, col = knn_edges(p, b, K)  # edge_index[0]=query, edge_index[1]=support
    dp = p[col] - p[row]
    xj = x[col]
    h = jnp.concatenate([dp, xj], axis=1)
    # conv1: Linear -> BN -> ReLU
    h = h @ W1 + bias1
    h = bn1d(h, g1, be1)
    h = jax.nn.relu(h)
    # conv2: Linear -> BN -> ReLU (use_res=False so last layer keeps act)
    h = h @ W2 + bias2
    h = bn1d(h, g2, be2)
    h = jax.nn.relu(h)
    # scatter-max aggregation onto query nodes
    x_agg = jax.ops.segment_max(h, row, num_segments=N)
    return (p, x_agg, b)

if __name__ == "__main__":
    import jax
    _d = setup_inputs()
    print(jax.jit(kernel)(*tuple(_d.values())))

</pallas_src>

<mosaic_0001>
#map = affine_map<(d0, d1) -> (0, 0)>
#map1 = affine_map<(d0, d1) -> (0)>
module attributes {stable_mosaic.version = 14 : i64} {
  func.func @gk(%arg0: i32, %arg1: i32, %arg2: memref<10000x128xf32, #tpu.memory_space<hbm>>, %arg3: memref<320000xi32, #tpu.memory_space<hbm>>, %arg4: memref<320000x128xf32, #tpu.memory_space<hbm>>, %arg5: memref<200xi32, #tpu.memory_space<vmem>>, %arg6: memref<200xi32, #tpu.memory_space<vmem>>, %arg7: memref<200x128xf32, #tpu.memory_space<vmem>>, %arg8: memref<200x128xf32, #tpu.memory_space<vmem>>, %arg9: memref<!tpu.dma_semaphore, #tpu.memory_space<semaphore_mem>>, %arg10: memref<!tpu.dma_semaphore, #tpu.memory_space<semaphore_mem>>) attributes {dimension_semantics = [#tpu.dimension_semantics<core_parallel>, #tpu.dimension_semantics<subcore_parallel>], iteration_bounds = array<i64: 2, 16>, scalar_prefetch = 0 : i64, scratch_operands = 6 : i64, tpu.core_type = #tpu.core_type<sc_vector_subcore>, window_params = [{transform_indices = #map}, {transform_indices = #map1}, {transform_indices = #map}]} {
    %mul3A = arith.constant 2 : i32
    %mul3A_0 = arith.muli %arg1, %mul3A : i32
    %add3A = arith.addi %mul3A_0, %arg0 : i32
    %mul3A_1 = arith.constant 10000 : i32
    %mul3A_2 = arith.muli %add3A, %mul3A_1 : i32
    "tpu.region"() ({
      %run_scoped3A = tpu.sem_alloc : memref<!tpu.dma_semaphore, #tpu.memory_space<semaphore_mem>>
      %dma_start3A_10 = tpu.memref_slice %arg3[%mul3A_2] : memref<320000xi32, #tpu.memory_space<hbm>> -> memref<200xi32, #tpu.memory_space<hbm>>
      %dma_start3A_11 = tpu.memref_slice %arg3[%mul3A_2] : memref<320000xi32, #tpu.memory_space<hbm>> -> memref<200xi32, #tpu.memory_space<hbm>>
      tpu.enqueue_dma source(%dma_start3A_11 : memref<200xi32, #tpu.memory_space<hbm>>) target(%arg5 : memref<200xi32, #tpu.memory_space<vmem>>) target_semaphore(%run_scoped3A : memref<!tpu.dma_semaphore, #tpu.memory_space<semaphore_mem>>)
      %dma_wait3A = tpu.memref_slice %arg3[%mul3A_2] : memref<320000xi32, #tpu.memory_space<hbm>> -> memref<200xi32, #tpu.memory_space<hbm>>
      %dma_wait3A_12 = tpu.memref_slice %arg3[%mul3A_2] : memref<320000xi32, #tpu.memory_space<hbm>> -> memref<200xi32, #tpu.memory_space<hbm>>
      tpu.wait_dma2 semaphore(%run_scoped3A : memref<!tpu.dma_semaphore, #tpu.memory_space<semaphore_mem>>) src(%dma_wait3A_12 : memref<200xi32, #tpu.memory_space<hbm>>) dst(%arg5 : memref<200xi32, #tpu.memory_space<vmem>>)
      tpu.yield
    }) : () -> ()
    %dma_start3A = arith.constant 0 : i32
    %dma_start3A_3 = arith.constant 0 : i32
    %dma_start3A_4 = tpu.memref_slice %arg2[%dma_start3A, %dma_start3A_3] : memref<10000x128xf32, #tpu.memory_space<hbm>> -> memref<10000x128xf32, #tpu.memory_space<hbm>>
    tpu.enqueue_indirect_dma source(%dma_start3A_4 : memref<10000x128xf32, #tpu.memory_space<hbm>>) target(%arg7 : memref<200x128xf32, #tpu.memory_space<vmem>>) offsets(%arg5 : memref<200xi32, #tpu.memory_space<vmem>>) semaphore(%arg9 : memref<!tpu.dma_semaphore, #tpu.memory_space<semaphore_mem>>)
    %scan3A = arith.constant 0 : i32
    %scan3A_5 = arith.constant 0 : i32
    %scan3A_6 = arith.constant 25 : i32
    %scan3A_7 = arith.addi %scan3A_5, %scan3A_6 : i32
    %scan3A_8 = arith.constant 1 : i32
    scf.for %scan3A_10 = %scan3A_5 to %scan3A_7 step %scan3A_8  : i32 {
      %mul3A_11 = arith.constant 2 : i32
      %mul3A_12 = arith.muli %mul3A_11, %scan3A_10 : i32
      %mul3A_13 = arith.constant 200 : i32
      %mul3A_14 = arith.muli %mul3A_12, %mul3A_13 : i32
      %add3A_15 = arith.addi %mul3A_2, %mul3A_14 : i32
      %add3A_16 = arith.constant 200 : i32
      %add3A_17 = arith.addi %add3A_15, %add3A_16 : i32
      "tpu.region"() ({
        %run_scoped3A = tpu.sem_alloc : memref<!tpu.dma_semaphore, #tpu.memory_space<semaphore_mem>>
        %dma_start3A_28 = tpu.memref_slice %arg3[%add3A_17] : memref<320000xi32, #tpu.memory_space<hbm>> -> memref<200xi32, #tpu.memory_space<hbm>>
        %dma_start3A_29 = tpu.memref_slice %arg3[%add3A_17] : memref<320000xi32, #tpu.memory_space<hbm>> -> memref<200xi32, #tpu.memory_space<hbm>>
        tpu.enqueue_dma source(%dma_start3A_29 : memref<200xi32, #tpu.memory_space<hbm>>) target(%arg6 : memref<200xi32, #tpu.memory_space<vmem>>) target_semaphore(%run_scoped3A : memref<!tpu.dma_semaphore, #tpu.memory_space<semaphore_mem>>)
        %dma_wait3A_30 = tpu.memref_slice %arg3[%add3A_17] : memref<320000xi32, #tpu.memory_space<hbm>> -> memref<200xi32, #tpu.memory_space<hbm>>
        %dma_wait3A_31 = tpu.memref_slice %arg3[%add3A_17] : memref<320000xi32, #tpu.memory_space<hbm>> -> memref<200xi32, #tpu.memory_space<hbm>>
        tpu.wait_dma2 semaphore(%run_scoped3A : memref<!tpu.dma_semaphore, #tpu.memory_space<semaphore_mem>>) src(%dma_wait3A_31 : memref<200xi32, #tpu.memory_space<hbm>>) dst(%arg6 : memref<200xi32, #tpu.memory_space<vmem>>)
        tpu.yield
      }) : () -> ()
      %dma_start3A_18 = arith.constant 0 : i32
      %dma_start3A_19 = arith.constant 0 : i32
      %dma_start3A_20 = tpu.memref_slice %arg2[%dma_start3A_18, %dma_start3A_19] : memref<10000x128xf32, #tpu.memory_space<hbm>> -> memref<10000x128xf32, #tpu.memory_space<hbm>>
      tpu.enqueue_indirect_dma source(%dma_start3A_20 : memref<10000x128xf32, #tpu.memory_space<hbm>>) target(%arg8 : memref<200x128xf32, #tpu.memory_space<vmem>>) offsets(%arg6 : memref<200xi32, #tpu.memory_space<vmem>>) semaphore(%arg10 : memref<!tpu.dma_semaphore, #tpu.memory_space<semaphore_mem>>)
      %dma_wait3A = arith.constant 0 : i32
      %dma_wait3A_21 = arith.constant 0 : i32
      %dma_wait3A_22 = tpu.memref_slice %arg2[%dma_wait3A, %dma_wait3A_21] : memref<10000x128xf32, #tpu.memory_space<hbm>> -> memref<10000x128xf32, #tpu.memory_space<hbm>>
      tpu.wait_indirect_dma semaphore(%arg9 : memref<!tpu.dma_semaphore, #tpu.memory_space<semaphore_mem>>) src(%dma_wait3A_22 : memref<10000x128xf32, #tpu.memory_space<hbm>>) dst(%arg7 : memref<200x128xf32, #tpu.memory_space<vmem>>)
      "tpu.region"() ({
        %run_scoped3A = tpu.sem_alloc : memref<!tpu.dma_semaphore, #tpu.memory_space<semaphore_mem>>
        %dma_start3A_28 = arith.constant 0 : i32
        %dma_start3A_29 = tpu.memref_slice %arg4[%add3A_15, %dma_start3A_28] : memref<320000x128xf32, #tpu.memory_space<hbm>> -> memref<200x128xf32, #tpu.memory_space<hbm>>
        %dma_start3A_30 = arith.constant 0 : i32
        %dma_start3A_31 = tpu.memref_slice %arg4[%add3A_15, %dma_start3A_30] : memref<320000x128xf32, #tpu.memory_space<hbm>> -> memref<200x128xf32, #tpu.memory_space<hbm>>
        tpu.enqueue_dma source(%arg7 : memref<200x128xf32, #tpu.memory_space<vmem>>) target(%dma_start3A_31 : memref<200x128xf32, #tpu.memory_space<hbm>>) target_semaphore(%run_scoped3A : memref<!tpu.dma_semaphore, #tpu.memory_space<semaphore_mem>>)
        %dma_wait3A_32 = arith.constant 0 : i32
        %dma_wait3A_33 = tpu.memref_slice %arg4[%add3A_15, %dma_wait3A_32] : memref<320000x128xf32, #tpu.memory_space<hbm>> -> memref<200x128xf32, #tpu.memory_space<hbm>>
        %dma_wait3A_34 = arith.constant 0 : i32
        %dma_wait3A_35 = tpu.memref_slice %arg4[%add3A_15, %dma_wait3A_34] : memref<320000x128xf32, #tpu.memory_space<hbm>> -> memref<200x128xf32, #tpu.memory_space<hbm>>
        tpu.wait_dma2 semaphore(%run_scoped3A : memref<!tpu.dma_semaphore, #tpu.memory_space<semaphore_mem>>) src(%arg7 : memref<200x128xf32, #tpu.memory_space<vmem>>) dst(%dma_wait3A_35 : memref<200x128xf32, #tpu.memory_space<hbm>>)
        tpu.yield
      }) : () -> ()
      %lt3A = arith.constant 24 : i32
      %lt3A_23 = arith.cmpi slt, %scan3A_10, %lt3A : i32
      %convert_element_type3A = arith.extui %lt3A_23 : i1 to i32
      %cond3A = arith.constant 0 : i32
      %cond3A_24 = arith.cmpi ne, %convert_element_type3A, %cond3A : i32
      scf.if %cond3A_24 {
        %add3A_28 = arith.constant 200 : i32
        %add3A_29 = arith.addi %add3A_17, %add3A_28 : i32
        "tpu.region"() ({
          %run_scoped3A = tpu.sem_alloc : memref<!tpu.dma_semaphore, #tpu.memory_space<semaphore_mem>>
          %dma_start3A_33 = tpu.memref_slice %arg3[%add3A_29] : memref<320000xi32, #tpu.memory_space<hbm>> -> memref<200xi32, #tpu.memory_space<hbm>>
          %dma_start3A_34 = tpu.memref_slice %arg3[%add3A_29] : memref<320000xi32, #tpu.memory_space<hbm>> -> memref<200xi32, #tpu.memory_space<hbm>>
          tpu.enqueue_dma source(%dma_start3A_34 : memref<200xi32, #tpu.memory_space<hbm>>) target(%arg5 : memref<200xi32, #tpu.memory_space<vmem>>) target_semaphore(%run_scoped3A : memref<!tpu.dma_semaphore, #tpu.memory_space<semaphore_mem>>)
          %dma_wait3A_35 = tpu.memref_slice %arg3[%add3A_29] : memref<320000xi32, #tpu.memory_space<hbm>> -> memref<200xi32, #tpu.memory_space<hbm>>
          %dma_wait3A_36 = tpu.memref_slice %arg3[%add3A_29] : memref<320000xi32, #tpu.memory_space<hbm>> -> memref<200xi32, #tpu.memory_space<hbm>>
          tpu.wait_dma2 semaphore(%run_scoped3A : memref<!tpu.dma_semaphore, #tpu.memory_space<semaphore_mem>>) src(%dma_wait3A_36 : memref<200xi32, #tpu.memory_space<hbm>>) dst(%arg5 : memref<200xi32, #tpu.memory_space<vmem>>)
          tpu.yield
        }) : () -> ()
        %dma_start3A_30 = arith.constant 0 : i32
        %dma_start3A_31 = arith.constant 0 : i32
        %dma_start3A_32 = tpu.memref_slice %arg2[%dma_start3A_30, %dma_start3A_31] : memref<10000x128xf32, #tpu.memory_space<hbm>> -> memref<10000x128xf32, #tpu.memory_space<hbm>>
        tpu.enqueue_indirect_dma source(%dma_start3A_32 : memref<10000x128xf32, #tpu.memory_space<hbm>>) target(%arg7 : memref<200x128xf32, #tpu.memory_space<vmem>>) offsets(%arg5 : memref<200xi32, #tpu.memory_space<vmem>>) semaphore(%arg9 : memref<!tpu.dma_semaphore, #tpu.memory_space<semaphore_mem>>)
      } else {
      }
      %dma_wait3A_25 = arith.constant 0 : i32
      %dma_wait3A_26 = arith.constant 0 : i32
      %dma_wait3A_27 = tpu.memref_slice %arg2[%dma_wait3A_25, %dma_wait3A_26] : memref<10000x128xf32, #tpu.memory_space<hbm>> -> memref<10000x128xf32, #tpu.memory_space<hbm>>
      tpu.wait_indirect_dma semaphore(%arg10 : memref<!tpu.dma_semaphore, #tpu.memory_space<semaphore_mem>>) src(%dma_wait3A_27 : memref<10000x128xf32, #tpu.memory_space<hbm>>) dst(%arg8 : memref<200x128xf32, #tpu.memory_space<vmem>>)
      "tpu.region"() ({
        %run_scoped3A = tpu.sem_alloc : memref<!tpu.dma_semaphore, #tpu.memory_space<semaphore_mem>>
        %dma_start3A_28 = arith.constant 0 : i32
        %dma_start3A_29 = tpu.memref_slice %arg4[%add3A_17, %dma_start3A_28] : memref<320000x128xf32, #tpu.memory_space<hbm>> -> memref<200x128xf32, #tpu.memory_space<hbm>>
        %dma_start3A_30 = arith.constant 0 : i32
        %dma_start3A_31 = tpu.memref_slice %arg4[%add3A_17, %dma_start3A_30] : memref<320000x128xf32, #tpu.memory_space<hbm>> -> memref<200x128xf32, #tpu.memory_space<hbm>>
        tpu.enqueue_dma source(%arg8 : memref<200x128xf32, #tpu.memory_space<vmem>>) target(%dma_start3A_31 : memref<200x128xf32, #tpu.memory_space<hbm>>) target_semaphore(%run_scoped3A : memref<!tpu.dma_semaphore, #tpu.memory_space<semaphore_mem>>)
        %dma_wait3A_32 = arith.constant 0 : i32
        %dma_wait3A_33 = tpu.memref_slice %arg4[%add3A_17, %dma_wait3A_32] : memref<320000x128xf32, #tpu.memory_space<hbm>> -> memref<200x128xf32, #tpu.memory_space<hbm>>
        %dma_wait3A_34 = arith.constant 0 : i32
        %dma_wait3A_35 = tpu.memref_slice %arg4[%add3A_17, %dma_wait3A_34] : memref<320000x128xf32, #tpu.memory_space<hbm>> -> memref<200x128xf32, #tpu.memory_space<hbm>>
        tpu.wait_dma2 semaphore(%run_scoped3A : memref<!tpu.dma_semaphore, #tpu.memory_space<semaphore_mem>>) src(%arg8 : memref<200x128xf32, #tpu.memory_space<vmem>>) dst(%dma_wait3A_35 : memref<200x128xf32, #tpu.memory_space<hbm>>)
        tpu.yield
      }) : () -> ()
    }
    %scan3A_9 = arith.constant 25 : i32
    return
  }
}

module attributes {stable_mosaic.version = 14 : i64} {
  func.func @_knn_body(%arg0: i32, %arg1: memref<3x512xf32, #tpu.memory_space<vmem>>, %arg2: memref<1x512xi32, #tpu.memory_space<vmem>>, %arg3: memref<10752x3xf32, #tpu.memory_space<vmem>>, %arg4: memref<10752x1xi32, #tpu.memory_space<vmem>>, %arg5: memref<1x10240xi32, #tpu.memory_space<vmem>>, %arg6: memref<32x512xi32, #tpu.memory_space<vmem>>) attributes {dimension_semantics = [#tpu.dimension_semantics<arbitrary>], iteration_bounds = array<i64: 20>, scalar_prefetch = 0 : i64, scratch_operands = 0 : i64, tpu.core_type = #tpu.core_type<tc>, window_params = [{transform_indices = @transform_0, window_bounds = array<i64: 3, 512>}, {transform_indices = @transform_1, window_bounds = array<i64: 1, 512>}, {pipeline_mode = #tpu.pipeline_mode<synchronous>, transform_indices = @transform_2, window_bounds = array<i64: 10752, 3>}, {pipeline_mode = #tpu.pipeline_mode<synchronous>, transform_indices = @transform_3, window_bounds = array<i64: 10752, 1>}, {pipeline_mode = #tpu.pipeline_mode<synchronous>, transform_indices = @transform_4, window_bounds = array<i64: 1, 10240>}, {transform_indices = @transform_5, window_bounds = array<i64: 32, 512>}]} {
    %get3A = arith.constant 0 : index
    %get3A_0 = arith.constant 0 : index
    %get3A_1 = vector.load %arg1[%get3A, %get3A_0] : memref<3x512xf32, #tpu.memory_space<vmem>>, vector<3x512xf32>
    %slice3A = vector.extract_strided_slice %get3A_1 {offsets = [0, 0], sizes = [1, 512], strides = [1, 1]} : vector<3x512xf32> to vector<1x512xf32>
    %slice3A_2 = vector.extract_strided_slice %get3A_1 {offsets = [1, 0], sizes = [1, 512], strides = [1, 1]} : vector<3x512xf32> to vector<1x512xf32>
    %slice3A_3 = vector.extract_strided_slice %get3A_1 {offsets = [2, 0], sizes = [1, 512], strides = [1, 1]} : vector<3x512xf32> to vector<1x512xf32>
    %get3A_4 = arith.constant 0 : index
    %get3A_5 = arith.constant 0 : index
    %get3A_6 = vector.load %arg2[%get3A_4, %get3A_5] : memref<1x512xi32, #tpu.memory_space<vmem>>, vector<1x512xi32>
    %get3A_7 = arith.constant 0 : index
    %get3A_8 = arith.constant 0 : index
    %get3A_9 = vector.load %arg5[%get3A_7, %get3A_8] : memref<1x10240xi32, #tpu.memory_space<vmem>>, vector<1x10240xi32>
    %reduce_min3A = vector.shape_cast %get3A_6 : vector<1x512xi32> to vector<1x1x512xi32>
    %reduce_min3A_10 = arith.constant dense<2147483647> : vector<1xi32>
    %reduce_min3A_11 = vector.multi_reduction <minsi>, %reduce_min3A, %reduce_min3A_10 [1, 2] : vector<1x1x512xi32> to vector<1xi32>
    %reduce_min3A_12 = vector.shape_cast %reduce_min3A_11 : vector<1xi32> to vector<1x1x1xi32>
    %reduce_min3A_13 = vector.extract %reduce_min3A_12[0, 0, 0] : i32 from vector<1x1x1xi32>
    %reduce_max3A = vector.shape_cast %get3A_6 : vector<1x512xi32> to vector<1x1x512xi32>
    %reduce_max3A_14 = arith.constant dense<-2147483648> : vector<1xi32>
    %reduce_max3A_15 = vector.multi_reduction <maxsi>, %reduce_max3A, %reduce_max3A_14 [1, 2] : vector<1x1x512xi32> to vector<1xi32>
    %reduce_max3A_16 = vector.shape_cast %reduce_max3A_15 : vector<1xi32> to vector<1x1x1xi32>
    %reduce_max3A_17 = vector.extract %reduce_max3A_16[0, 0, 0] : i32 from vector<1x1x1xi32>
    %lt3A = vector.broadcast %reduce_min3A_13 : i32 to vector<1x10240xi32>
    %lt3A_18 = arith.cmpi slt, %get3A_9, %lt3A : vector<1x10240xi32>
    %convert_element_type3A = arith.extui %lt3A_18 : vector<1x10240xi1> to vector<1x10240xi32>
    %reduce_sum3A = vector.shape_cast %convert_element_type3A : vector<1x10240xi32> to vector<1x1x10240xi32>
    %reduce_sum3A_19 = arith.constant dense<0> : vector<1xi32>
    %reduce_sum3A_20 = vector.multi_reduction <add>, %reduce_sum3A, %reduce_sum3A_19 [1, 2] : vector<1x1x10240xi32> to vector<1xi32>
    %reduce_sum3A_21 = vector.shape_cast %reduce_sum3A_20 : vector<1xi32> to vector<1x1x1xi32>
    %reduce_sum3A_22 = vector.extract %reduce_sum3A_21[0, 0, 0] : i32 from vector<1x1x1xi32>
    %le3A = vector.broadcast %reduce_max3A_17 : i32 to vector<1x10240xi32>
    %le3A_23 = arith.cmpi sle, %get3A_9, %le3A : vector<1x10240xi32>
    %convert_element_type3A_24 = arith.extui %le3A_23 : vector<1x10240xi1> to vector<1x10240xi32>
    %reduce_sum3A_25 = vector.shape_cast %convert_element_type3A_24 : vector<1x10240xi32> to vector<1x1x10240xi32>
    %reduce_sum3A_26 = arith.constant dense<0> : vector<1xi32>
    %reduce_sum3A_27 = vector.multi_reduction <add>, %reduce_sum3A_25, %reduce_sum3A_26 [1, 2] : vector<1x1x10240xi32> to vector<1xi32>
    %reduce_sum3A_28 = vector.shape_cast %reduce_sum3A_27 : vector<1xi32> to vector<1x1x1xi32>
    %reduce_sum3A_29 = vector.extract %reduce_sum3A_28[0, 0, 0] : i32 from vector<1x1x1xi32>
    %jit3A = arith.constant 8 : i32
    %div3A = arith.divsi %reduce_sum3A_22, %jit3A : i32
    %sign3A = arith.constant 0 : i32
    %sign3A_30 = arith.cmpi sgt, %reduce_sum3A_22, %sign3A : i32
    %sign3A_31 = arith.extui %sign3A_30 : i1 to i32
    %sign3A_32 = arith.constant 0 : i32
    %sign3A_33 = arith.cmpi slt, %reduce_sum3A_22, %sign3A_32 : i32
    %sign3A_34 = arith.extui %sign3A_33 : i1 to i32
    %sign3A_35 = arith.subi %sign3A_31, %sign3A_34 : i32
    %sign3A_36 = arith.constant 0 : i32
    %sign3A_37 = arith.cmpi sgt, %jit3A, %sign3A_36 : i32
    %sign3A_38 = arith.extui %sign3A_37 : i1 to i32
    %sign3A_39 = arith.constant 0 : i32
    %sign3A_40 = arith.cmpi slt, %jit3A, %sign3A_39 : i32
    %sign3A_41 = arith.extui %sign3A_40 : i1 to i32
    %sign3A_42 = arith.subi %sign3A_38, %sign3A_41 : i32
    %ne3A = arith.cmpi ne, %sign3A_35, %sign3A_42 : i32
    %rem3A = arith.remsi %reduce_sum3A_22, %jit3A : i32
    %ne3A_43 = arith.constant 0 : i32
    %ne3A_44 = arith.cmpi ne, %rem3A, %ne3A_43 : i32
    %and3A = arith.andi %ne3A, %ne3A_44 : i1
    %sub3A = arith.constant 1 : i32
    %sub3A_45 = arith.subi %div3A, %sub3A : i32
    %select_n3A = arith.select %and3A, %sub3A_45, %div3A : i32
    %mul3A = arith.constant 8 : i32
    %mul3A_46 = arith.muli %select_n3A, %mul3A : i32
    %sub3A_47 = arith.subi %reduce_sum3A_29, %mul3A_46 : i32
    %add3A = arith.constant 512 : i32
    %add3A_48 = arith.addi %sub3A_47, %add3A : i32
    %sub3A_49 = arith.constant 1 : i32
    %sub3A_50 = arith.subi %add3A_48, %sub3A_49 : i32
    %jit3A_51 = arith.constant 512 : i32
    %div3A_52 = arith.divsi %sub3A_50, %jit3A_51 : i32
    %sign3A_53 = arith.constant 0 : i32
    %sign3A_54 = arith.cmpi sgt, %sub3A_50, %sign3A_53 : i32
    %sign3A_55 = arith.extui %sign3A_54 : i1 to i32
    %sign3A_56 = arith.constant 0 : i32
    %sign3A_57 = arith.cmpi slt, %sub3A_50, %sign3A_56 : i32
    %sign3A_58 = arith.extui %sign3A_57 : i1 to i32
    %sign3A_59 = arith.subi %sign3A_55, %sign3A_58 : i32
    %sign3A_60 = arith.constant 0 : i32
    %sign3A_61 = arith.cmpi sgt, %jit3A_51, %sign3A_60 : i32
    %sign3A_62 = arith.extui %sign3A_61 : i1 to i32
    %sign3A_63 = arith.constant 0 : i32
    %sign3A_64 = arith.cmpi slt, %jit3A_51, %sign3A_63 : i32
    %sign3A_65 = arith.extui %sign3A_64 : i1 to i32
    %sign3A_66 = arith.subi %sign3A_62, %sign3A_65 : i32
    %ne3A_67 = arith.cmpi ne, %sign3A_59, %sign3A_66 : i32
    %rem3A_68 = arith.remsi %sub3A_50, %jit3A_51 : i32
    %ne3A_69 = arith.constant 0 : i32
    %ne3A_70 = arith.cmpi ne, %rem3A_68, %ne3A_69 : i32
    %and3A_71 = arith.andi %ne3A_67, %ne3A_70 : i1
    %sub3A_72 = arith.constant 1 : i32
    %sub3A_73 = arith.subi %div3A_52, %sub3A_72 : i32
    %select_n3A_74 = arith.select %and3A_71, %sub3A_73, %div3A_52 : i32
    %broadcast_in_dim3A = arith.constant 0x7F800000 : f32
    %broadcast_in_dim3A_75 = vector.broadcast %broadcast_in_dim3A : f32 to vector<32x512xf32>
    %iota3A = tpu.iota {dimensions = array<i32: 0>} : vector<32x512xi32>
    %sub3A_76 = arith.constant 32 : i32
    %sub3A_77 = vector.broadcast %sub3A_76 : i32 to vector<32x512xi32>
    %sub3A_78 = arith.subi %iota3A, %sub3A_77 : vector<32x512xi32>
    %while3A = arith.constant 0x7F800000 : f32
    %while3A_79 = arith.constant 0 : i32
    %while3A_80 = arith.subi %select_n3A_74, %while3A_79 : i32
    %while3A_81 = arith.addi %while3A_79, %while3A_80 : i32
    %while3A_82 = arith.constant 1 : i32
    %while3A_83 = arith.divsi %while3A_80, %while3A_82 : i32
    %while3A_84 = arith.muli %while3A_83, %while3A_82 : i32
    %while3A_85 = arith.addi %while3A_79, %while3A_84 : i32
    %while3A_86 = arith.constant 1 : i32
    %while3A_87:2 = scf.for %while3A_92 = %while3A_79 to %while3A_85 step %while3A_86 iter_args(%while3A_93 = %broadcast_in_dim3A_75, %while3A_94 = %sub3A_78) -> (vector<32x512xf32>, vector<32x512xi32>)  : i32 {
      %mul3A_95 = arith.constant 512 : i32
      %mul3A_96 = arith.muli %while3A_92, %mul3A_95 : i32
      %add3A_97 = arith.addi %mul3A_46, %mul3A_96 : i32
      %get3A_98 = arith.index_cast %add3A_97 : i32 to index
      %get3A_99 = arith.constant 0 : index
      %get3A_100 = vector.load %arg3[%get3A_98, %get3A_99] : memref<10752x3xf32, #tpu.memory_space<vmem>>, vector<512x3xf32>
      %get3A_101 = arith.index_cast %add3A_97 : i32 to index
      %get3A_102 = arith.constant 0 : index
      %get3A_103 = vector.load %arg4[%get3A_101, %get3A_102] : memref<10752x1xi32, #tpu.memory_space<vmem>>, vector<512x1xi32>
      %slice3A_104 = vector.extract_strided_slice %get3A_100 {offsets = [0, 0], sizes = [512, 1], strides = [1, 1]} : vector<512x3xf32> to vector<512x1xf32>
      %sub3A_105 = vector.broadcast %slice3A_104 : vector<512x1xf32> to vector<512x512xf32>
      %sub3A_106 = vector.broadcast %slice3A : vector<1x512xf32> to vector<512x512xf32>
      %sub3A_107 = arith.subf %sub3A_105, %sub3A_106 : vector<512x512xf32>
      %slice3A_108 = vector.extract_strided_slice %get3A_100 {offsets = [0, 1], sizes = [512, 1], strides = [1, 1]} : vector<512x3xf32> to vector<512x1xf32>
      %sub3A_109 = vector.broadcast %slice3A_108 : vector<512x1xf32> to vector<512x512xf32>
      %sub3A_110 = vector.broadcast %slice3A_2 : vector<1x512xf32> to vector<512x512xf32>
      %sub3A_111 = arith.subf %sub3A_109, %sub3A_110 : vector<512x512xf32>
      %slice3A_112 = vector.extract_strided_slice %get3A_100 {offsets = [0, 2], sizes = [512, 1], strides = [1, 1]} : vector<512x3xf32> to vector<512x1xf32>
      %sub3A_113 = vector.broadcast %slice3A_112 : vector<512x1xf32> to vector<512x512xf32>
      %sub3A_114 = vector.broadcast %slice3A_3 : vector<1x512xf32> to vector<512x512xf32>
      %sub3A_115 = arith.subf %sub3A_113, %sub3A_114 : vector<512x512xf32>
      %mul3A_116 = arith.mulf %sub3A_107, %sub3A_107 : vector<512x512xf32>
      %mul3A_117 = arith.mulf %sub3A_111, %sub3A_111 : vector<512x512xf32>
      %add3A_118 = arith.addf %mul3A_116, %mul3A_117 : vector<512x512xf32>
      %mul3A_119 = arith.mulf %sub3A_115, %sub3A_115 : vector<512x512xf32>
      %add3A_120 = arith.addf %add3A_118, %mul3A_119 : vector<512x512xf32>
      %eq3A = vector.broadcast %get3A_103 : vector<512x1xi32> to vector<512x512xi32>
      %eq3A_121 = vector.broadcast %get3A_6 : vector<1x512xi32> to vector<512x512xi32>
      %eq3A_122 = arith.cmpi eq, %eq3A, %eq3A_121 : vector<512x512xi32>
      %broadcast_in_dim3A_123 = vector.broadcast %while3A : f32 to vector<512x512xf32>
      %select_n3A_124 = arith.select %eq3A_122, %add3A_120, %broadcast_in_dim3A_123 : vector<512x512xi1>, vector<512x512xf32>
      %iota3A_125 = tpu.iota {dimensions = array<i32: 0>} : vector<512x512xi32>
      %add3A_126 = vector.broadcast %add3A_97 : i32 to vector<512x512xi32>
      %add3A_127 = arith.addi %iota3A_125, %add3A_126 : vector<512x512xi32>
      %concatenate3A = tpu.concatenate %while3A_93, %select_n3A_124 in 0 : vector<32x512xf32>, vector<512x512xf32> -> vector<544x512xf32>
      %concatenate3A_128 = tpu.concatenate %while3A_94, %add3A_127 in 0 : vector<32x512xi32>, vector<512x512xi32> -> vector<544x512xi32>
      %reduce_min3A_129 = arith.constant dense<0x7F800000> : vector<512xf32>
      %reduce_min3A_130 = vector.multi_reduction <minimumf>, %concatenate3A, %reduce_min3A_129 [0] : vector<544x512xf32> to vector<512xf32>
      %broadcast_in_dim3A_131 = vector.shape_cast %reduce_min3A_130 : vector<512xf32> to vector<1x512xf32>
      %eq3A_132 = vector.broadcast %broadcast_in_dim3A_131 : vector<1x512xf32> to vector<544x512xf32>
      %eq3A_133 = arith.cmpf oeq, %concatenate3A, %eq3A_132 : vector<544x512xf32>
      %jit3A_134 = arith.constant 1073741824 : i32
      %broadcast_in_dim3A_135 = vector.broadcast %jit3A_134 : i32 to vector<544x512xi32>
      %select_n3A_136 = arith.select %eq3A_133, %concatenate3A_128, %broadcast_in_dim3A_135 : vector<544x512xi1>, vector<544x512xi32>
      %reduce_min3A_137 = arith.constant dense<2147483647> : vector<512xi32>
      %reduce_min3A_138 = vector.multi_reduction <minsi>, %select_n3A_136, %reduce_min3A_137 [0] : vector<544x512xi32> to vector<512xi32>
      %broadcast_in_dim3A_139 = vector.shape_cast %reduce_min3A_138 : vector<512xi32> to vector<1x512xi32>
      %eq3A_140 = vector.broadcast %broadcast_in_dim3A_139 : vector<1x512xi32> to vector<544x512xi32>
      %eq3A_141 = arith.cmpi eq, %concatenate3A_128, %eq3A_140 : vector<544x512xi32>
      %broadcast_in_dim3A_142 = vector.broadcast %while3A : f32 to vector<544x512xf32>
      %select_n3A_143 = arith.select %eq3A_141, %broadcast_in_dim3A_142, %concatenate3A : vector<544x512xi1>, vector<544x512xf32>
      %reduce_min3A_144 = arith.constant dense<0x7F800000> : vector<512xf32>
      %reduce_min3A_145 = vector.multi_reduction <minimumf>, %select_n3A_143, %reduce_min3A_144 [0] : vector<544x512xf32> to vector<512xf32>
      %broadcast_in_dim3A_146 = vector.shape_cast %reduce_min3A_145 : vector<512xf32> to vector<1x512xf32>
      %eq3A_147 = vector.broadcast %broadcast_in_dim3A_146 : vector<1x512xf32> to vector<544x512xf32>
      %eq3A_148 = arith.cmpf oeq, %select_n3A_143, %eq3A_147 : vector<544x512xf32>
      %jit3A_149 = arith.constant 1073741824 : i32
      %broadcast_in_dim3A_150 = vector.broadcast %jit3A_149 : i32 to vector<544x512xi32>
      %select_n3A_151 = arith.select %eq3A_148, %concatenate3A_128, %broadcast_in_dim3A_150 : vector<544x512xi1>, vector<544x512xi32>
      %reduce_min3A_152 = arith.constant dense<2147483647> : vector<512xi32>
      %reduce_min3A_153 = vector.multi_reduction <minsi>, %select_n3A_151, %reduce_min3A_152 [0] : vector<544x512xi32> to vector<512xi32>
      %broadcast_in_dim3A_154 = vector.shape_cast %reduce_min3A_153 : vector<512xi32> to vector<1x512xi32>
      %eq3A_155 = vector.broadcast %broadcast_in_dim3A_154 : vector<1x512xi32> to vector<544x512xi32>
      %eq3A_156 = arith.cmpi eq, %concatenate3A_128, %eq3A_155 : vector<544x512xi32>
      %broadcast_in_dim3A_157 = vector.broadcast %while3A : f32 to vector<544x512xf32>
      %select_n3A_158 = arith.select %eq3A_156, %broadcast_in_dim3A_157, %select_n3A_143 : vector<544x512xi1>, vector<544x512xf32>
      %reduce_min3A_159 = arith.constant dense<0x7F800000> : vector<512xf32>
      %reduce_min3A_160 = vector.multi_reduction <minimumf>, %select_n3A_158, %reduce_min3A_159 [0] : vector<544x512xf32> to vector<512xf32>
      %broadcast_in_dim3A_161 = vector.shape_cast %reduce_min3A_160 : vector<512xf32> to vector<1x512xf32>
      %eq3A_162 = vector.broadcast %broadcast_in_dim3A_161 : vector<1x512xf32> to vector<544x512xf32>
      %eq3A_163 = arith.cmpf oeq, %select_n3A_158, %eq3A_162 : vector<544x512xf32>
      %jit3A_164 = arith.constant 1073741824 : i32
      %broadcast_in_dim3A_165 = vector.broadcast %jit3A_164 : i32 to vector<544x512xi32>
      %select_n3A_166 = arith.select %eq3A_163, %concatenate3A_128, %broadcast_in_dim3A_165 : vector<544x512xi1>, vector<544x512xi32>
      %reduce_min3A_167 = arith.constant dense<2147483647> : vector<512xi32>
      %reduce_min3A_168 = vector.multi_reduction <minsi>, %select_n3A_166, %reduce_min3A_167 [0] : vector<544x512xi32> to vector<512xi32>
      %broadcast_in_dim3A_169 = vector.shape_cast %reduce_min3A_168 : vector<512xi32> to vector<1x512xi32>
      %eq3A_170 = vector.broadcast %broadcast_in_dim3A_169 : vector<1x512xi32> to vector<544x512xi32>
      %eq3A_171 = arith.cmpi eq, %concatenate3A_128, %eq3A_170 : vector<544x512xi32>
      %broadcast_in_dim3A_172 = vector.broadcast %while3A : f32 to vector<544x512xf32>
      %select_n3A_173 = arith.select %eq3A_171, %broadcast_in_dim3A_172, %select_n3A_158 : vector<544x512xi1>, vector<544x512xf32>
      %reduce_min3A_174 = arith.constant dense<0x7F800000> : vector<512xf32>
      %reduce_min3A_175 = vector.multi_reduction <minimumf>, %select_n3A_173, %reduce_min3A_174 [0] : vector<544x512xf32> to vector<512xf32>
      %broadcast_in_dim3A_176 = vector.shape_cast %reduce_min3A_175 : vector<512xf32> to vector<1x512xf32>
      %eq3A_177 = vector.broadcast %broadcast_in_dim3A_176 : vector<1x512xf32> to vector<544x512xf32>
      %eq3A_178 = arith.cmpf oeq, %select_n3A_173, %eq3A_177 : vector<544x512xf32>
      %jit3A_179 = arith.constant 1073741824 : i32
      %broadcast_in_dim3A_180 = vector.broadcast %jit3A_179 : i32 to vector<544x512xi32>
      %select_n3A_181 = arith.select %eq3A_178, %concatenate3A_128, %broadcast_in_dim3A_180 : vector<544x512xi1>, vector<544x512xi32>
      %reduce_min3A_182 = arith.constant dense<2147483647> : vector<512xi32>
      %reduce_min3A_183 = vector.multi_reduction <minsi>, %select_n3A_181, %reduce_min3A_182 [0] : vector<544x512xi32> to vector<512xi32>
      %broadcast_in_dim3A_184 = vector.shape_cast %reduce_min3A_183 : vector<512xi32> to vector<1x512xi32>
      %eq3A_185 = vector.broadcast %broadcast_in_dim3A_184 : vector<1x512xi32> to vector<544x512xi32>
      %eq3A_186 = arith.cmpi eq, %concatenate3A_128, %eq3A_185 : vector<544x512xi32>
      %broadcast_in_dim3A_187 = vector.broadcast %while3A : f32 to vector<544x512xf32>
      %select_n3A_188 = arith.select %eq3A_186, %broadcast_in_dim3A_187, %select_n3A_173 : vector<544x512xi1>, vector<544x512xf32>
      %reduce_min3A_189 = arith.constant dense<0x7F800000> : vector<512xf32>
      %reduce_min3A_190 = vector.multi_reduction <minimumf>, %select_n3A_188, %reduce_min3A_189 [0] : vector<544x512xf32> to vector<512xf32>
      %broadcast_in_dim3A_191 = vector.shape_cast %reduce_min3A_190 : vector<512xf32> to vector<1x512xf32>
      %eq3A_192 = vector.broadcast %broadcast_in_dim3A_191 : vector<1x512xf32> to vector<544x512xf32>
      %eq3A_193 = arith.cmpf oeq, %select_n3A_188, %eq3A_192 : vector<544x512xf32>
      %jit3A_194 = arith.constant 1073741824 : i32
      %broadcast_in_dim3A_195 = vector.broadcast %jit3A_194 : i32 to vector<544x512xi32>
      %select_n3A_196 = arith.select %eq3A_193, %concatenate3A_128, %broadcast_in_dim3A_195 : vector<544x512xi1>, vector<544x512xi32>
      %reduce_min3A_197 = arith.constant dense<2147483647> : vector<512xi32>
      %reduce_min3A_198 = vector.multi_reduction <minsi>, %select_n3A_196, %reduce_min3A_197 [0] : vector<544x512xi32> to vector<512xi32>
      %broadcast_in_dim3A_199 = vector.shape_cast %reduce_min3A_198 : vector<512xi32> to vector<1x512xi32>
      %eq3A_200 = vector.broadcast %broadcast_in_dim3A_199 : vector<1x512xi32> to vector<544x512xi32>
      %eq3A_201 = arith.cmpi eq, %concatenate3A_128, %eq3A_200 : vector<544x512xi32>
      %broadcast_in_dim3A_202 = vector.broadcast %while3A : f32 to vector<544x512xf32>
      %select_n3A_203 = arith.select %eq3A_201, %broadcast_in_dim3A_202, %select_n3A_188 : vector<544x512xi1>, vector<544x512xf32>
      %reduce_min3A_204 = arith.constant dense<0x7F800000> : vector<512xf32>
      %reduce_min3A_205 = vector.multi_reduction <minimumf>, %select_n3A_203, %reduce_min3A_204 [0] : vector<544x512xf32> to vector<512xf32>
      %broadcast_in_dim3A_206 = vector.shape_cast %reduce_min3A_205 : vector<512xf32> to vector<1x512xf32>
      %eq3A_207 = vector.broadcast %broadcast_in_dim3A_206 : vector<1x512xf32> to vector<544x512xf32>
      %eq3A_208 = arith.cmpf oeq, %select_n3A_203, %eq3A_207 : vector<544x512xf32>
      %jit3A_209 = arith.constant 1073741824 : i32
      %broadcast_in_dim3A_210 = vector.broadcast %jit3A_209 : i32 to vector<544x512xi32>
      %select_n3A_211 = arith.select %eq3A_208, %concatenate3A_128, %broadcast_in_dim3A_210 : vector<544x512xi1>, vector<544x512xi32>
      %reduce_min3A_212 = arith.constant dense<2147483647> : vector<512xi32>
      %reduce_min3A_213 = vector.multi_reduction <minsi>, %select_n3A_211, %reduce_min3A_212 [0] : vector<544x512xi32> to vector<512xi32>
      %broadcast_in_dim3A_214 = vector.shape_cast %reduce_min3A_213 : vector<512xi32> to vector<1x512xi32>
      %eq3A_215 = vector.broadcast %broadcast_in_dim3A_214 : vector<1x512xi32> to vector<544x512xi32>
      %eq3A_216 = arith.cmpi eq, %concatenate3A_128, %eq3A_215 : vector<544x512xi32>
      %broadcast_in_dim3A_217 = vector.broadcast %while3A : f32 to vector<544x512xf32>
      %select_n3A_218 = arith.select %eq3A_216, %broadcast_in_dim3A_217, %select_n3A_203 : vector<544x512xi1>, vector<544x512xf32>
      %reduce_min3A_219 = arith.constant dense<0x7F800000> : vector<512xf32>
      %reduce_min3A_220 = vector.multi_reduction <minimumf>, %select_n3A_218, %reduce_min3A_219 [0] : vector<544x512xf32> to vector<512xf32>
      %broadcast_in_dim3A_221 = vector.shape_cast %reduce_min3A_220 : vector<512xf32> to vector<1x512xf32>
      %eq3A_222 = vector.broadcast %broadcast_in_dim3A_221 : vector<1x512xf32> to vector<544x512xf32>
      %eq3A_223 = arith.cmpf oeq, %select_n3A_218, %eq3A_222 : vector<544x512xf32>
      %jit3A_224 = arith.constant 1073741824 : i32
      %broadcast_in_dim3A_225 = vector.broadcast %jit3A_224 : i32 to vector<544x512xi32>
      %select_n3A_226 = arith.select %eq3A_223, %concatenate3A_128, %broadcast_in_dim3A_225 : vector<544x512xi1>, vector<544x512xi32>
      %reduce_min3A_227 = arith.constant dense<2147483647> : vector<512xi32>
      %reduce_min3A_228 = vector.multi_reduction <minsi>, %select_n3A_226, %reduce_min3A_227 [0] : vector<544x512xi32> to vector<512xi32>
      %broadcast_in_dim3A_229 = vector.shape_cast %reduce_min3A_228 : vector<512xi32> to vector<1x512xi32>
      %eq3A_230 = vector.broadcast %broadcast_in_dim3A_229 : vector<1x512xi32> to vector<544x512xi32>
      %eq3A_231 = arith.cmpi eq, %concatenate3A_128, %eq3A_230 : vector<544x512xi32>
      %broadcast_in_dim3A_232 = vector.broadcast %while3A : f32 to vector<544x512xf32>
      %select_n3A_233 = arith.select %eq3A_231, %broadcast_in_dim3A_232, %select_n3A_218 : vector<544x512xi1>, vector<544x512xf32>
      %reduce_min3A_234 = arith.constant dense<0x7F800000> : vector<512xf32>
      %reduce_min3A_235 = vector.multi_reduction <minimumf>, %select_n3A_233, %reduce_min3A_234 [0] : vector<544x512xf32> to vector<512xf32>
      %broadcast_in_dim3A_236 = vector.shape_cast %reduce_min3A_235 : vector<512xf32> to vector<1x512xf32>
      %eq3A_237 = vector.broadcast %broadcast_in_dim3A_236 : vector<1x512xf32> to vector<544x512xf32>
      %eq3A_238 = arith.cmpf oeq, %select_n3A_233, %eq3A_237 : vector<544x512xf32>
      %jit3A_239 = arith.constant 1073741824 : i32
      %broadcast_in_dim3A_240 = vector.broadcast %jit3A_239 : i32 to vector<544x512xi32>
      %select_n3A_241 = arith.select %eq3A_238, %concatenate3A_128, %broadcast_in_dim3A_240 : vector<544x512xi1>, vector<544x512xi32>
      %reduce_min3A_242 = arith.constant dense<2147483647> : vector<512xi32>
      %reduce_min3A_243 = vector.multi_reduction <minsi>, %select_n3A_241, %reduce_min3A_242 [0] : vector<544x512xi32> to vector<512xi32>
      %broadcast_in_dim3A_244 = vector.shape_cast %reduce_min3A_243 : vector<512xi32> to vector<1x512xi32>
      %eq3A_245 = vector.broadcast %broadcast_in_dim3A_244 : vector<1x512xi32> to vector<544x512xi32>
      %eq3A_246 = arith.cmpi eq, %concatenate3A_128, %eq3A_245 : vector<544x512xi32>
      %broadcast_in_dim3A_247 = vector.broadcast %while3A : f32 to vector<544x512xf32>
      %select_n3A_248 = arith.select %eq3A_246, %broadcast_in_dim3A_247, %select_n3A_233 : vector<544x512xi1>, vector<544x512xf32>
      %reduce_min3A_249 = arith.constant dense<0x7F800000> : vector<512xf32>
      %reduce_min3A_250 = vector.multi_reduction <minimumf>, %select_n3A_248, %reduce_min3A_249 [0] : vector<544x512xf32> to vector<512xf32>
      %broadcast_in_dim3A_251 = vector.shape_cast %reduce_min3A_250 : vector<512xf32> to vector<1x512xf32>
      %eq3A_252 = vector.broadcast %broadcast_in_dim3A_251 : vector<1x512xf32> to vector<544x512xf32>
      %eq3A_253 = arith.cmpf oeq, %select_n3A_248, %eq3A_252 : vector<544x512xf32>
      %jit3A_254 = arith.constant 1073741824 : i32
      %broadcast_in_dim3A_255 = vector.broadcast %jit3A_254 : i32 to vector<544x512xi32>
      %select_n3A_256 = arith.select %eq3A_253, %concatenate3A_128, %broadcast_in_dim3A_255 : vector<544x512xi1>, vector<544x512xi32>
      %reduce_min3A_257 = arith.constant dense<2147483647> : vector<512xi32>
      %reduce_min3A_258 = vector.multi_reduction <minsi>, %select_n3A_256, %reduce_min3A_257 [0] : vector<544x512xi32> to vector<512xi32>
      %broadcast_in_dim3A_259 = vector.shape_cast %reduce_min3A_258 : vector<512xi32> to vector<1x512xi32>
      %eq3A_260 = vector.broadcast %broadcast_in_dim3A_259 : vector<1x512xi32> to vector<544x512xi32>
      %eq3A_261 = arith.cmpi eq, %concatenate3A_128, %eq3A_260 : vector<544x512xi32>
      %broadcast_in_dim3A_262 = vector.broadcast %while3A : f32 to vector<544x512xf32>
      %select_n3A_263 = arith.select %eq3A_261, %broadcast_in_dim3A_262, %select_n3A_248 : vector<544x512xi1>, vector<544x512xf32>
      %reduce_min3A_264 = arith.constant dense<0x7F800000> : vector<512xf32>
      %reduce_min3A_265 = vector.multi_reduction <minimumf>, %select_n3A_263, %reduce_min3A_264 [0] : vector<544x512xf32> to vector<512xf32>
      %broadcast_in_dim3A_266 = vector.shape_cast %reduce_min3A_265 : vector<512xf32> to vector<1x512xf32>
      %eq3A_267 = vector.broadcast %broadcast_in_dim3A_266 : vector<1x512xf32> to vector<544x512xf32>
      %eq3A_268 = arith.cmpf oeq, %select_n3A_263, %eq3A_267 : vector<544x512xf32>
      %jit3A_269 = arith.constant 1073741824 : i32
      %broadcast_in_dim3A_270 = vector.broadcast %jit3A_269 : i32 to vector<544x512xi32>
      %select_n3A_271 = arith.select %eq3A_268, %concatenate3A_128, %broadcast_in_dim3A_270 : vector<544x512xi1>, vector<544x512xi32>
      %reduce_min3A_272 = arith.constant dense<2147483647> : vector<512xi32>
      %reduce_min3A_273 = vector.multi_reduction <minsi>, %select_n3A_271, %reduce_min3A_272 [0] : vector<544x512xi32> to vector<512xi32>
      %broadcast_in_dim3A_274 = vector.shape_cast %reduce_min3A_273 : vector<512xi32> to vector<1x512xi32>
      %eq3A_275 = vector.broadcast %broadcast_in_dim3A_274 : vector<1x512xi32> to vector<544x512xi32>
      %eq3A_276 = arith.cmpi eq, %concatenate3A_128, %eq3A_275 : vector<544x512xi32>
      %broadcast_in_dim3A_277 = vector.broadcast %while3A : f32 to vector<544x512xf32>
      %select_n3A_278 = arith.select %eq3A_276, %broadcast_in_dim3A_277, %select_n3A_263 : vector<544x512xi1>, vector<544x512xf32>
      %reduce_min3A_279 = arith.constant dense<0x7F800000> : vector<512xf32>
      %reduce_min3A_280 = vector.multi_reduction <minimumf>, %select_n3A_278, %reduce_min3A_279 [0] : vector<544x512xf32> to vector<512xf32>
      %broadcast_in_dim3A_281 = vector.shape_cast %reduce_min3A_280 : vector<512xf32> to vector<1x512xf32>
      %eq3A_282 = vector.broadcast %broadcast_in_dim3A_281 : vector<1x512xf32> to vector<544x512xf32>
      %eq3A_283 = arith.cmpf oeq, %select_n3A_278, %eq3A_282 : vector<544x512xf32>
      %jit3A_284 = arith.constant 1073741824 : i32
      %broadcast_in_dim3A_285 = vector.broadcast %jit3A_284 : i32 to vector<544x512xi32>
      %select_n3A_286 = arith.select %eq3A_283, %concatenate3A_128, %broadcast_in_dim3A_285 : vector<544x512xi1>, vector<544x512xi32>
      %reduce_min3A_287 = arith.constant dense<2147483647> : vector<512xi32>
      %reduce_min3A_288 = vector.multi_reduction <minsi>, %select_n3A_286, %reduce_min3A_287 [0] : vector<544x512xi32> to vector<512xi32>
      %broadcast_in_dim3A_289 = vector.shape_cast %reduce_min3A_288 : vector<512xi32> to vector<1x512xi32>
      %eq3A_290 = vector.broadcast %broadcast_in_dim3A_289 : vector<1x512xi32> to vector<544x512xi32>
      %eq3A_291 = arith.cmpi eq, %concatenate3A_128, %eq3A_290 : vector<544x512xi32>
      %broadcast_in_dim3A_292 = vector.broadcast %while3A : f32 to vector<544x512xf32>
      %select_n3A_293 = arith.select %eq3A_291, %broadcast_in_dim3A_292, %select_n3A_278 : vector<544x512xi1>, vector<544x512xf32>
      %reduce_min3A_294 = arith.constant dense<0x7F800000> : vector<512xf32>
      %reduce_min3A_295 = vector.multi_reduction <minimumf>, %select_n3A_293, %reduce_min3A_294 [0] : vector<544x512xf32> to vector<512xf32>
      %broadcast_in_dim3A_296 = vector.shape_cast %reduce_min3A_295 : vector<512xf32> to vector<1x512xf32>
      %eq3A_297 = vector.broadcast %broadcast_in_dim3A_296 : vector<1x512xf32> to vector<544x512xf32>
      %eq3A_298 = arith.cmpf oeq, %select_n3A_293, %eq3A_297 : vector<544x512xf32>
      %jit3A_299 = arith.constant 1073741824 : i32
      %broadcast_in_dim3A_300 = vector.broadcast %jit3A_299 : i32 to vector<544x512xi32>
      %select_n3A_301 = arith.select %eq3A_298, %concatenate3A_128, %broadcast_in_dim3A_300 : vector<544x512xi1>, vector<544x512xi32>
      %reduce_min3A_302 = arith.constant dense<2147483647> : vector<512xi32>
      %reduce_min3A_303 = vector.multi_reduction <minsi>, %select_n3A_301, %reduce_min3A_302 [0] : vector<544x512xi32> to vector<512xi32>
      %broadcast_in_dim3A_304 = vector.shape_cast %reduce_min3A_303 : vector<512xi32> to vector<1x512xi32>
      %eq3A_305 = vector.broadcast %broadcast_in_dim3A_304 : vector<1x512xi32> to vector<544x512xi32>
      %eq3A_306 = arith.cmpi eq, %concatenate3A_128, %eq3A_305 : vector<544x512xi32>
      %broadcast_in_dim3A_307 = vector.broadcast %while3A : f32 to vector<544x512xf32>
      %select_n3A_308 = arith.select %eq3A_306, %broadcast_in_dim3A_307, %select_n3A_293 : vector<544x512xi1>, vector<544x512xf32>
      %reduce_min3A_309 = arith.constant dense<0x7F800000> : vector<512xf32>
      %reduce_min3A_310 = vector.multi_reduction <minimumf>, %select_n3A_308, %reduce_min3A_309 [0] : vector<544x512xf32> to vector<512xf32>
      %broadcast_in_dim3A_311 = vector.shape_cast %reduce_min3A_310 : vector<512xf32> to vector<1x512xf32>
      %eq3A_312 = vector.broadcast %broadcast_in_dim3A_311 : vector<1x512xf32> to vector<544x512xf32>
      %eq3A_313 = arith.cmpf oeq, %select_n3A_308, %eq3A_312 : vector<544x512xf32>
      %jit3A_314 = arith.constant 1073741824 : i32
      %broadcast_in_dim3A_315 = vector.broadcast %jit3A_314 : i32 to vector<544x512xi32>
      %select_n3A_316 = arith.select %eq3A_313, %concatenate3A_128, %broadcast_in_dim3A_315 : vector<544x512xi1>, vector<544x512xi32>
      %reduce_min3A_317 = arith.constant dense<2147483647> : vector<512xi32>
      %reduce_min3A_318 = vector.multi_reduction <minsi>, %select_n3A_316, %reduce_min3A_317 [0] : vector<544x512xi32> to vector<512xi32>
      %broadcast_in_dim3A_319 = vector.shape_cast %reduce_min3A_318 : vector<512xi32> to vector<1x512xi32>
      %eq3A_320 = vector.broadcast %broadcast_in_dim3A_319 : vector<1x512xi32> to vector<544x512xi32>
      %eq3A_321 = arith.cmpi eq, %concatenate3A_128, %eq3A_320 : vector<544x512xi32>
      %broadcast_in_dim3A_322 = vector.broadcast %while3A : f32 to vector<544x512xf32>
      %select_n3A_323 = arith.select %eq3A_321, %broadcast_in_dim3A_322, %select_n3A_308 : vector<544x512xi1>, vector<544x512xf32>
      %reduce_min3A_324 = arith.constant dense<0x7F800000> : vector<512xf32>
      %reduce_min3A_325 = vector.multi_reduction <minimumf>, %select_n3A_323, %reduce_min3A_324 [0] : vector<544x512xf32> to vector<512xf32>
      %broadcast_in_dim3A_326 = vector.shape_cast %reduce_min3A_325 : vector<512xf32> to vector<1x512xf32>
      %eq3A_327 = vector.broadcast %broadcast_in_dim3A_326 : vector<1x512xf32> to vector<544x512xf32>
      %eq3A_328 = arith.cmpf oeq, %select_n3A_323, %eq3A_327 : vector<544x512xf32>
      %jit3A_329 = arith.constant 1073741824 : i32
      %broadcast_in_dim3A_330 = vector.broadcast %jit3A_329 : i32 to vector<544x512xi32>
      %select_n3A_331 = arith.select %eq3A_328, %concatenate3A_128, %broadcast_in_dim3A_330 : vector<544x512xi1>, vector<544x512xi32>
      %reduce_min3A_332 = arith.constant dense<2147483647> : vector<512xi32>
      %reduce_min3A_333 = vector.multi_reduction <minsi>, %select_n3A_331, %reduce_min3A_332 [0] : vector<544x512xi32> to vector<512xi32>
      %broadcast_in_dim3A_334 = vector.shape_cast %reduce_min3A_333 : vector<512xi32> to vector<1x512xi32>
      %eq3A_335 = vector.broadcast %broadcast_in_dim3A_334 : vector<1x512xi32> to vector<544x512xi32>
      %eq3A_336 = arith.cmpi eq, %concatenate3A_128, %eq3A_335 : vector<544x512xi32>
      %broadcast_in_dim3A_337 = vector.broadcast %while3A : f32 to vector<544x512xf32>
      %select_n3A_338 = arith.select %eq3A_336, %broadcast_in_dim3A_337, %select_n3A_323 : vector<544x512xi1>, vector<544x512xf32>
      %reduce_min3A_339 = arith.constant dense<0x7F800000> : vector<512xf32>
      %reduce_min3A_340 = vector.multi_reduction <minimumf>, %select_n3A_338, %reduce_min3A_339 [0] : vector<544x512xf32> to vector<512xf32>
      %broadcast_in_dim3A_341 = vector.shape_cast %reduce_min3A_340 : vector<512xf32> to vector<1x512xf32>
      %eq3A_342 = vector.broadcast %broadcast_in_dim3A_341 : vector<1x512xf32> to vector<544x512xf32>
      %eq3A_343 = arith.cmpf oeq, %select_n3A_338, %eq3A_342 : vector<544x512xf32>
      %jit3A_344 = arith.constant 1073741824 : i32
      %broadcast_in_dim3A_345 = vector.broadcast %jit3A_344 : i32 to vector<544x512xi32>
      %select_n3A_346 = arith.select %eq3A_343, %concatenate3A_128, %broadcast_in_dim3A_345 : vector<544x512xi1>, vector<544x512xi32>
      %reduce_min3A_347 = arith.constant dense<2147483647> : vector<512xi32>
      %reduce_min3A_348 = vector.multi_reduction <minsi>, %select_n3A_346, %reduce_min3A_347 [0] : vector<544x512xi32> to vector<512xi32>
      %broadcast_in_dim3A_349 = vector.shape_cast %reduce_min3A_348 : vector<512xi32> to vector<1x512xi32>
      %eq3A_350 = vector.broadcast %broadcast_in_dim3A_349 : vector<1x512xi32> to vector<544x512xi32>
      %eq3A_351 = arith.cmpi eq, %concatenate3A_128, %eq3A_350 : vector<544x512xi32>
      %broadcast_in_dim3A_352 = vector.broadcast %while3A : f32 to vector<544x512xf32>
      %select_n3A_353 = arith.select %eq3A_351, %broadcast_in_dim3A_352, %select_n3A_338 : vector<544x512xi1>, vector<544x512xf32>
      %reduce_min3A_354 = arith.constant dense<0x7F800000> : vector<512xf32>
      %reduce_min3A_355 = vector.multi_reduction <minimumf>, %select_n3A_353, %reduce_min3A_354 [0] : vector<544x512xf32> to vector<512xf32>
      %broadcast_in_dim3A_356 = vector.shape_cast %reduce_min3A_355 : vector<512xf32> to vector<1x512xf32>
      %eq3A_357 = vector.broadcast %broadcast_in_dim3A_356 : vector<1x512xf32> to vector<544x512xf32>
      %eq3A_358 = arith.cmpf oeq, %select_n3A_353, %eq3A_357 : vector<544x512xf32>
      %jit3A_359 = arith.constant 1073741824 : i32
      %broadcast_in_dim3A_360 = vector.broadcast %jit3A_359 : i32 to vector<544x512xi32>
      %select_n3A_361 = arith.select %eq3A_358, %concatenate3A_128, %broadcast_in_dim3A_360 : vector<544x512xi1>, vector<544x512xi32>
      %reduce_min3A_362 = arith.constant dense<2147483647> : vector<512xi32>
      %reduce_min3A_363 = vector.multi_reduction <minsi>, %select_n3A_361, %reduce_min3A_362 [0] : vector<544x512xi32> to vector<512xi32>
      %broadcast_in_dim3A_364 = vector.shape_cast %reduce_min3A_363 : vector<512xi32> to vector<1x512xi32>
      %eq3A_365 = vector.broadcast %broadcast_in_dim3A_364 : vector<1x512xi32> to vector<544x512xi32>
      %eq3A_366 = arith.cmpi eq, %concatenate3A_128, %eq3A_365 : vector<544x512xi32>
      %broadcast_in_dim3A_367 = vector.broadcast %while3A : f32 to vector<544x512xf32>
      %select_n3A_368 = arith.select %eq3A_366, %broadcast_in_dim3A_367, %select_n3A_353 : vector<544x512xi1>, vector<544x512xf32>
      %reduce_min3A_369 = arith.constant dense<0x7F800000> : vector<512xf32>
      %reduce_min3A_370 = vector.multi_reduction <minimumf>, %select_n3A_368, %reduce_min3A_369 [0] : vector<544x512xf32> to vector<512xf32>
      %broadcast_in_dim3A_371 = vector.shape_cast %reduce_min3A_370 : vector<512xf32> to vector<1x512xf32>
      %eq3A_372 = vector.broadcast %broadcast_in_dim3A_371 : vector<1x512xf32> to vector<544x512xf32>
      %eq3A_373 = arith.cmpf oeq, %select_n3A_368, %eq3A_372 : vector<544x512xf32>
      %jit3A_374 = arith.constant 1073741824 : i32
      %broadcast_in_dim3A_375 = vector.broadcast %jit3A_374 : i32 to vector<544x512xi32>
      %select_n3A_376 = arith.select %eq3A_373, %concatenate3A_128, %broadcast_in_dim3A_375 : vector<544x512xi1>, vector<544x512xi32>
      %reduce_min3A_377 = arith.constant dense<2147483647> : vector<512xi32>
      %reduce_min3A_378 = vector.multi_reduction <minsi>, %select_n3A_376, %reduce_min3A_377 [0] : vector<544x512xi32> to vector<512xi32>
      %broadcast_in_dim3A_379 = vector.shape_cast %reduce_min3A_378 : vector<512xi32> to vector<1x512xi32>
      %eq3A_380 = vector.broadcast %broadcast_in_dim3A_379 : vector<1x512xi32> to vector<544x512xi32>
      %eq3A_381 = arith.cmpi eq, %concatenate3A_128, %eq3A_380 : vector<544x512xi32>
      %broadcast_in_dim3A_382 = vector.broadcast %while3A : f32 to vector<544x512xf32>
      %select_n3A_383 = arith.select %eq3A_381, %broadcast_in_dim3A_382, %select_n3A_368 : vector<544x512xi1>, vector<544x512xf32>
      %reduce_min3A_384 = arith.constant dense<0x7F800000> : vector<512xf32>
      %reduce_min3A_385 = vector.multi_reduction <minimumf>, %select_n3A_383, %reduce_min3A_384 [0] : vector<544x512xf32> to vector<512xf32>
      %broadcast_in_dim3A_386 = vector.shape_cast %reduce_min3A_385 : vector<512xf32> to vector<1x512xf32>
      %eq3A_387 = vector.broadcast %broadcast_in_dim3A_386 : vector<1x512xf32> to vector<544x512xf32>
      %eq3A_388 = arith.cmpf oeq, %select_n3A_383, %eq3A_387 : vector<544x512xf32>
      %jit3A_389 = arith.constant 1073741824 : i32
      %broadcast_in_dim3A_390 = vector.broadcast %jit3A_389 : i32 to vector<544x512xi32>
      %select_n3A_391 = arith.select %eq3A_388, %concatenate3A_128, %broadcast_in_dim3A_390 : vector<544x512xi1>, vector<544x512xi32>
      %reduce_min3A_392 = arith.constant dense<2147483647> : vector<512xi32>
      %reduce_min3A_393 = vector.multi_reduction <minsi>, %select_n3A_391, %reduce_min3A_392 [0] : vector<544x512xi32> to vector<512xi32>
      %broadcast_in_dim3A_394 = vector.shape_cast %reduce_min3A_393 : vector<512xi32> to vector<1x512xi32>
      %eq3A_395 = vector.broadcast %broadcast_in_dim3A_394 : vector<1x512xi32> to vector<544x512xi32>
      %eq3A_396 = arith.cmpi eq, %concatenate3A_128, %eq3A_395 : vector<544x512xi32>
      %broadcast_in_dim3A_397 = vector.broadcast %while3A : f32 to vector<544x512xf32>
      %select_n3A_398 = arith.select %eq3A_396, %broadcast_in_dim3A_397, %select_n3A_383 : vector<544x512xi1>, vector<544x512xf32>
      %reduce_min3A_399 = arith.constant dense<0x7F800000> : vector<512xf32>
      %reduce_min3A_400 = vector.multi_reduction <minimumf>, %select_n3A_398, %reduce_min3A_399 [0] : vector<544x512xf32> to vector<512xf32>
      %broadcast_in_dim3A_401 = vector.shape_cast %reduce_min3A_400 : vector<512xf32> to vector<1x512xf32>
      %eq3A_402 = vector.broadcast %broadcast_in_dim3A_401 : vector<1x512xf32> to vector<544x512xf32>
      %eq3A_403 = arith.cmpf oeq, %select_n3A_398, %eq3A_402 : vector<544x512xf32>
      %jit3A_404 = arith.constant 1073741824 : i32
      %broadcast_in_dim3A_405 = vector.broadcast %jit3A_404 : i32 to vector<544x512xi32>
      %select_n3A_406 = arith.select %eq3A_403, %concatenate3A_128, %broadcast_in_dim3A_405 : vector<544x512xi1>, vector<544x512xi32>
      %reduce_min3A_407 = arith.constant dense<2147483647> : vector<512xi32>
      %reduce_min3A_408 = vector.multi_reduction <minsi>, %select_n3A_406, %reduce_min3A_407 [0] : vector<544x512xi32> to vector<512xi32>
      %broadcast_in_dim3A_409 = vector.shape_cast %reduce_min3A_408 : vector<512xi32> to vector<1x512xi32>
      %eq3A_410 = vector.broadcast %broadcast_in_dim3A_409 : vector<1x512xi32> to vector<544x512xi32>
      %eq3A_411 = arith.cmpi eq, %concatenate3A_128, %eq3A_410 : vector<544x512xi32>
      %broadcast_in_dim3A_412 = vector.broadcast %while3A : f32 to vector<544x512xf32>
      %select_n3A_413 = arith.select %eq3A_411, %broadcast_in_dim3A_412, %select_n3A_398 : vector<544x512xi1>, vector<544x512xf32>
      %reduce_min3A_414 = arith.constant dense<0x7F800000> : vector<512xf32>
      %reduce_min3A_415 = vector.multi_reduction <minimumf>, %select_n3A_413, %reduce_min3A_414 [0] : vector<544x512xf32> to vector<512xf32>
      %broadcast_in_dim3A_416 = vector.shape_cast %reduce_min3A_415 : vector<512xf32> to vector<1x512xf32>
      %eq3A_417 = vector.broadcast %broadcast_in_dim3A_416 : vector<1x512xf32> to vector<544x512xf32>
      %eq3A_418 = arith.cmpf oeq, %select_n3A_413, %eq3A_417 : vector<544x512xf32>
      %jit3A_419 = arith.constant 1073741824 : i32
      %broadcast_in_dim3A_420 = vector.broadcast %jit3A_419 : i32 to vector<544x512xi32>
      %select_n3A_421 = arith.select %eq3A_418, %concatenate3A_128, %broadcast_in_dim3A_420 : vector<544x512xi1>, vector<544x512xi32>
      %reduce_min3A_422 = arith.constant dense<2147483647> : vector<512xi32>
      %reduce_min3A_423 = vector.multi_reduction <minsi>, %select_n3A_421, %reduce_min3A_422 [0] : vector<544x512xi32> to vector<512xi32>
      %broadcast_in_dim3A_424 = vector.shape_cast %reduce_min3A_423 : vector<512xi32> to vector<1x512xi32>
      %eq3A_425 = vector.broadcast %broadcast_in_dim3A_424 : vector<1x512xi32> to vector<544x512xi32>
      %eq3A_426 = arith.cmpi eq, %concatenate3A_128, %eq3A_425 : vector<544x512xi32>
      %broadcast_in_dim3A_427 = vector.broadcast %while3A : f32 to vector<544x512xf32>
      %select_n3A_428 = arith.select %eq3A_426, %broadcast_in_dim3A_427, %select_n3A_413 : vector<544x512xi1>, vector<544x512xf32>
      %reduce_min3A_429 = arith.constant dense<0x7F800000> : vector<512xf32>
      %reduce_min3A_430 = vector.multi_reduction <minimumf>, %select_n3A_428, %reduce_min3A_429 [0] : vector<544x512xf32> to vector<512xf32>
      %broadcast_in_dim3A_431 = vector.shape_cast %reduce_min3A_430 : vector<512xf32> to vector<1x512xf32>
      %eq3A_432 = vector.broadcast %broadcast_in_dim3A_431 : vector<1x512xf32> to vector<544x512xf32>
      %eq3A_433 = arith.cmpf oeq, %select_n3A_428, %eq3A_432 : vector<544x512xf32>
      %jit3A_434 = arith.constant 1073741824 : i32
      %broadcast_in_dim3A_435 = vector.broadcast %jit3A_434 : i32 to vector<544x512xi32>
      %select_n3A_436 = arith.select %eq3A_433, %concatenate3A_128, %broadcast_in_dim3A_435 : vector<544x512xi1>, vector<544x512xi32>
      %reduce_min3A_437 = arith.constant dense<2147483647> : vector<512xi32>
      %reduce_min3A_438 = vector.multi_reduction <minsi>, %select_n3A_436, %reduce_min3A_437 [0] : vector<544x512xi32> to vector<512xi32>
      %broadcast_in_dim3A_439 = vector.shape_cast %reduce_min3A_438 : vector<512xi32> to vector<1x512xi32>
      %eq3A_440 = vector.broadcast %broadcast_in_dim3A_439 : vector<1x512xi32> to vector<544x512xi32>
      %eq3A_441 = arith.cmpi eq, %concatenate3A_128, %eq3A_440 : vector<544x512xi32>
      %broadcast_in_dim3A_442 = vector.broadcast %while3A : f32 to vector<544x512xf32>
      %select_n3A_443 = arith.select %eq3A_441, %broadcast_in_dim3A_442, %select_n3A_428 : vector<544x512xi1>, vector<544x512xf32>
      %reduce_min3A_444 = arith.constant dense<0x7F800000> : vector<512xf32>
      %reduce_min3A_445 = vector.multi_reduction <minimumf>, %select_n3A_443, %reduce_min3A_444 [0] : vector<544x512xf32> to vector<512xf32>
      %broadcast_in_dim3A_446 = vector.shape_cast %reduce_min3A_445 : vector<512xf32> to vector<1x512xf32>
      %eq3A_447 = vector.broadcast %broadcast_in_dim3A_446 : vector<1x512xf32> to vector<544x512xf32>
      %eq3A_448 = arith.cmpf oeq, %select_n3A_443, %eq3A_447 : vector<544x512xf32>
      %jit3A_449 = arith.constant 1073741824 : i32
      %broadcast_in_dim3A_450 = vector.broadcast %jit3A_449 : i32 to vector<544x512xi32>
      %select_n3A_451 = arith.select %eq3A_448, %concatenate3A_128, %broadcast_in_dim3A_450 : vector<544x512xi1>, vector<544x512xi32>
      %reduce_min3A_452 = arith.constant dense<2147483647> : vector<512xi32>
      %reduce_min3A_453 = vector.multi_reduction <minsi>, %select_n3A_451, %reduce_min3A_452 [0] : vector<544x512xi32> to vector<512xi32>
      %broadcast_in_dim3A_454 = vector.shape_cast %reduce_min3A_453 : vector<512xi32> to vector<1x512xi32>
      %eq3A_455 = vector.broadcast %broadcast_in_dim3A_454 : vector<1x512xi32> to vector<544x512xi32>
      %eq3A_456 = arith.cmpi eq, %concatenate3A_128, %eq3A_455 : vector<544x512xi32>
      %broadcast_in_dim3A_457 = vector.broadcast %while3A : f32 to vector<544x512xf32>
      %select_n3A_458 = arith.select %eq3A_456, %broadcast_in_dim3A_457, %select_n3A_443 : vector<544x512xi1>, vector<544x512xf32>
      %reduce_min3A_459 = arith.constant dense<0x7F800000> : vector<512xf32>
      %reduce_min3A_460 = vector.multi_reduction <minimumf>, %select_n3A_458, %reduce_min3A_459 [0] : vector<544x512xf32> to vector<512xf32>
      %broadcast_in_dim3A_461 = vector.shape_cast %reduce_min3A_460 : vector<512xf32> to vector<1x512xf32>
      %eq3A_462 = vector.broadcast %broadcast_in_dim3A_461 : vector<1x512xf32> to vector<544x512xf32>
      %eq3A_463 = arith.cmpf oeq, %select_n3A_458, %eq3A_462 : vector<544x512xf32>
      %jit3A_464 = arith.constant 1073741824 : i32
      %broadcast_in_dim3A_465 = vector.broadcast %jit3A_464 : i32 to vector<544x512xi32>
      %select_n3A_466 = arith.select %eq3A_463, %concatenate3A_128, %broadcast_in_dim3A_465 : vector<544x512xi1>, vector<544x512xi32>
      %reduce_min3A_467 = arith.constant dense<2147483647> : vector<512xi32>
      %reduce_min3A_468 = vector.multi_reduction <minsi>, %select_n3A_466, %reduce_min3A_467 [0] : vector<544x512xi32> to vector<512xi32>
      %broadcast_in_dim3A_469 = vector.shape_cast %reduce_min3A_468 : vector<512xi32> to vector<1x512xi32>
      %eq3A_470 = vector.broadcast %broadcast_in_dim3A_469 : vector<1x512xi32> to vector<544x512xi32>
      %eq3A_471 = arith.cmpi eq, %concatenate3A_128, %eq3A_470 : vector<544x512xi32>
      %broadcast_in_dim3A_472 = vector.broadcast %while3A : f32 to vector<544x512xf32>
      %select_n3A_473 = arith.select %eq3A_471, %broadcast_in_dim3A_472, %select_n3A_458 : vector<544x512xi1>, vector<544x512xf32>
      %reduce_min3A_474 = arith.constant dense<0x7F800000> : vector<512xf32>
      %reduce_min3A_475 = vector.multi_reduction <minimumf>, %select_n3A_473, %reduce_min3A_474 [0] : vector<544x512xf32> to vector<512xf32>
      %broadcast_in_dim3A_476 = vector.shape_cast %reduce_min3A_475 : vector<512xf32> to vector<1x512xf32>
      %eq3A_477 = vector.broadcast %broadcast_in_dim3A_476 : vector<1x512xf32> to vector<544x512xf32>
      %eq3A_478 = arith.cmpf oeq, %select_n3A_473, %eq3A_477 : vector<544x512xf32>
      %jit3A_479 = arith.constant 1073741824 : i32
      %broadcast_in_dim3A_480 = vector.broadcast %jit3A_479 : i32 to vector<544x512xi32>
      %select_n3A_481 = arith.select %eq3A_478, %concatenate3A_128, %broadcast_in_dim3A_480 : vector<544x512xi1>, vector<544x512xi32>
      %reduce_min3A_482 = arith.constant dense<2147483647> : vector<512xi32>
      %reduce_min3A_483 = vector.multi_reduction <minsi>, %select_n3A_481, %reduce_min3A_482 [0] : vector<544x512xi32> to vector<512xi32>
      %broadcast_in_dim3A_484 = vector.shape_cast %reduce_min3A_483 : vector<512xi32> to vector<1x512xi32>
      %eq3A_485 = vector.broadcast %broadcast_in_dim3A_484 : vector<1x512xi32> to vector<544x512xi32>
      %eq3A_486 = arith.cmpi eq, %concatenate3A_128, %eq3A_485 : vector<544x512xi32>
      %broadcast_in_dim3A_487 = vector.broadcast %while3A : f32 to vector<544x512xf32>
      %select_n3A_488 = arith.select %eq3A_486, %broadcast_in_dim3A_487, %select_n3A_473 : vector<544x512xi1>, vector<544x512xf32>
      %reduce_min3A_489 = arith.constant dense<0x7F800000> : vector<512xf32>
      %reduce_min3A_490 = vector.multi_reduction <minimumf>, %select_n3A_488, %reduce_min3A_489 [0] : vector<544x512xf32> to vector<512xf32>
      %broadcast_in_dim3A_491 = vector.shape_cast %reduce_min3A_490 : vector<512xf32> to vector<1x512xf32>
      %eq3A_492 = vector.broadcast %broadcast_in_dim3A_491 : vector<1x512xf32> to vector<544x512xf32>
      %eq3A_493 = arith.cmpf oeq, %select_n3A_488, %eq3A_492 : vector<544x512xf32>
      %jit3A_494 = arith.constant 1073741824 : i32
      %broadcast_in_dim3A_495 = vector.broadcast %jit3A_494 : i32 to vector<544x512xi32>
      %select_n3A_496 = arith.select %eq3A_493, %concatenate3A_128, %broadcast_in_dim3A_495 : vector<544x512xi1>, vector<544x512xi32>
      %reduce_min3A_497 = arith.constant dense<2147483647> : vector<512xi32>
      %reduce_min3A_498 = vector.multi_reduction <minsi>, %select_n3A_496, %reduce_min3A_497 [0] : vector<544x512xi32> to vector<512xi32>
      %broadcast_in_dim3A_499 = vector.shape_cast %reduce_min3A_498 : vector<512xi32> to vector<1x512xi32>
      %eq3A_500 = vector.broadcast %broadcast_in_dim3A_499 : vector<1x512xi32> to vector<544x512xi32>
      %eq3A_501 = arith.cmpi eq, %concatenate3A_128, %eq3A_500 : vector<544x512xi32>
      %broadcast_in_dim3A_502 = vector.broadcast %while3A : f32 to vector<544x512xf32>
      %select_n3A_503 = arith.select %eq3A_501, %broadcast_in_dim3A_502, %select_n3A_488 : vector<544x512xi1>, vector<544x512xf32>
      %reduce_min3A_504 = arith.constant dense<0x7F800000> : vector<512xf32>
      %reduce_min3A_505 = vector.multi_reduction <minimumf>, %select_n3A_503, %reduce_min3A_504 [0] : vector<544x512xf32> to vector<512xf32>
      %broadcast_in_dim3A_506 = vector.shape_cast %reduce_min3A_505 : vector<512xf32> to vector<1x512xf32>
      %eq3A_507 = vector.broadcast %broadcast_in_dim3A_506 : vector<1x512xf32> to vector<544x512xf32>
      %eq3A_508 = arith.cmpf oeq, %select_n3A_503, %eq3A_507 : vector<544x512xf32>
      %jit3A_509 = arith.constant 1073741824 : i32
      %broadcast_in_dim3A_510 = vector.broadcast %jit3A_509 : i32 to vector<544x512xi32>
      %select_n3A_511 = arith.select %eq3A_508, %concatenate3A_128, %broadcast_in_dim3A_510 : vector<544x512xi1>, vector<544x512xi32>
      %reduce_min3A_512 = arith.constant dense<2147483647> : vector<512xi32>
      %reduce_min3A_513 = vector.multi_reduction <minsi>, %select_n3A_511, %reduce_min3A_512 [0] : vector<544x512xi32> to vector<512xi32>
      %broadcast_in_dim3A_514 = vector.shape_cast %reduce_min3A_513 : vector<512xi32> to vector<1x512xi32>
      %eq3A_515 = vector.broadcast %broadcast_in_dim3A_514 : vector<1x512xi32> to vector<544x512xi32>
      %eq3A_516 = arith.cmpi eq, %concatenate3A_128, %eq3A_515 : vector<544x512xi32>
      %broadcast_in_dim3A_517 = vector.broadcast %while3A : f32 to vector<544x512xf32>
      %select_n3A_518 = arith.select %eq3A_516, %broadcast_in_dim3A_517, %select_n3A_503 : vector<544x512xi1>, vector<544x512xf32>
      %reduce_min3A_519 = arith.constant dense<0x7F800000> : vector<512xf32>
      %reduce_min3A_520 = vector.multi_reduction <minimumf>, %select_n3A_518, %reduce_min3A_519 [0] : vector<544x512xf32> to vector<512xf32>
      %broadcast_in_dim3A_521 = vector.shape_cast %reduce_min3A_520 : vector<512xf32> to vector<1x512xf32>
      %eq3A_522 = vector.broadcast %broadcast_in_dim3A_521 : vector<1x512xf32> to vector<544x512xf32>
      %eq3A_523 = arith.cmpf oeq, %select_n3A_518, %eq3A_522 : vector<544x512xf32>
      %jit3A_524 = arith.constant 1073741824 : i32
      %broadcast_in_dim3A_525 = vector.broadcast %jit3A_524 : i32 to vector<544x512xi32>
      %select_n3A_526 = arith.select %eq3A_523, %concatenate3A_128, %broadcast_in_dim3A_525 : vector<544x512xi1>, vector<544x512xi32>
      %reduce_min3A_527 = arith.constant dense<2147483647> : vector<512xi32>
      %reduce_min3A_528 = vector.multi_reduction <minsi>, %select_n3A_526, %reduce_min3A_527 [0] : vector<544x512xi32> to vector<512xi32>
      %broadcast_in_dim3A_529 = vector.shape_cast %reduce_min3A_528 : vector<512xi32> to vector<1x512xi32>
      %eq3A_530 = vector.broadcast %broadcast_in_dim3A_529 : vector<1x512xi32> to vector<544x512xi32>
      %eq3A_531 = arith.cmpi eq, %concatenate3A_128, %eq3A_530 : vector<544x512xi32>
      %broadcast_in_dim3A_532 = vector.broadcast %while3A : f32 to vector<544x512xf32>
      %select_n3A_533 = arith.select %eq3A_531, %broadcast_in_dim3A_532, %select_n3A_518 : vector<544x512xi1>, vector<544x512xf32>
      %reduce_min3A_534 = arith.constant dense<0x7F800000> : vector<512xf32>
      %reduce_min3A_535 = vector.multi_reduction <minimumf>, %select_n3A_533, %reduce_min3A_534 [0] : vector<544x512xf32> to vector<512xf32>
      %broadcast_in_dim3A_536 = vector.shape_cast %reduce_min3A_535 : vector<512xf32> to vector<1x512xf32>
      %eq3A_537 = vector.broadcast %broadcast_in_dim3A_536 : vector<1x512xf32> to vector<544x512xf32>
      %eq3A_538 = arith.cmpf oeq, %select_n3A_533, %eq3A_537 : vector<544x512xf32>
      %jit3A_539 = arith.constant 1073741824 : i32
      %broadcast_in_dim3A_540 = vector.broadcast %jit3A_539 : i32 to vector<544x512xi32>
      %select_n3A_541 = arith.select %eq3A_538, %concatenate3A_128, %broadcast_in_dim3A_540 : vector<544x512xi1>, vector<544x512xi32>
      %reduce_min3A_542 = arith.constant dense<2147483647> : vector<512xi32>
      %reduce_min3A_543 = vector.multi_reduction <minsi>, %select_n3A_541, %reduce_min3A_542 [0] : vector<544x512xi32> to vector<512xi32>
      %broadcast_in_dim3A_544 = vector.shape_cast %reduce_min3A_543 : vector<512xi32> to vector<1x512xi32>
      %eq3A_545 = vector.broadcast %broadcast_in_dim3A_544 : vector<1x512xi32> to vector<544x512xi32>
      %eq3A_546 = arith.cmpi eq, %concatenate3A_128, %eq3A_545 : vector<544x512xi32>
      %broadcast_in_dim3A_547 = vector.broadcast %while3A : f32 to vector<544x512xf32>
      %select_n3A_548 = arith.select %eq3A_546, %broadcast_in_dim3A_547, %select_n3A_533 : vector<544x512xi1>, vector<544x512xf32>
      %reduce_min3A_549 = arith.constant dense<0x7F800000> : vector<512xf32>
      %reduce_min3A_550 = vector.multi_reduction <minimumf>, %select_n3A_548, %reduce_min3A_549 [0] : vector<544x512xf32> to vector<512xf32>
      %broadcast_in_dim3A_551 = vector.shape_cast %reduce_min3A_550 : vector<512xf32> to vector<1x512xf32>
      %eq3A_552 = vector.broadcast %broadcast_in_dim3A_551 : vector<1x512xf32> to vector<544x512xf32>
      %eq3A_553 = arith.cmpf oeq, %select_n3A_548, %eq3A_552 : vector<544x512xf32>
      %jit3A_554 = arith.constant 1073741824 : i32
      %broadcast_in_dim3A_555 = vector.broadcast %jit3A_554 : i32 to vector<544x512xi32>
      %select_n3A_556 = arith.select %eq3A_553, %concatenate3A_128, %broadcast_in_dim3A_555 : vector<544x512xi1>, vector<544x512xi32>
      %reduce_min3A_557 = arith.constant dense<2147483647> : vector<512xi32>
      %reduce_min3A_558 = vector.multi_reduction <minsi>, %select_n3A_556, %reduce_min3A_557 [0] : vector<544x512xi32> to vector<512xi32>
      %broadcast_in_dim3A_559 = vector.shape_cast %reduce_min3A_558 : vector<512xi32> to vector<1x512xi32>
      %eq3A_560 = vector.broadcast %broadcast_in_dim3A_559 : vector<1x512xi32> to vector<544x512xi32>
      %eq3A_561 = arith.cmpi eq, %concatenate3A_128, %eq3A_560 : vector<544x512xi32>
      %broadcast_in_dim3A_562 = vector.broadcast %while3A : f32 to vector<544x512xf32>
      %select_n3A_563 = arith.select %eq3A_561, %broadcast_in_dim3A_562, %select_n3A_548 : vector<544x512xi1>, vector<544x512xf32>
      %reduce_min3A_564 = arith.constant dense<0x7F800000> : vector<512xf32>
      %reduce_min3A_565 = vector.multi_reduction <minimumf>, %select_n3A_563, %reduce_min3A_564 [0] : vector<544x512xf32> to vector<512xf32>
      %broadcast_in_dim3A_566 = vector.shape_cast %reduce_min3A_565 : vector<512xf32> to vector<1x512xf32>
      %eq3A_567 = vector.broadcast %broadcast_in_dim3A_566 : vector<1x512xf32> to vector<544x512xf32>
      %eq3A_568 = arith.cmpf oeq, %select_n3A_563, %eq3A_567 : vector<544x512xf32>
      %jit3A_569 = arith.constant 1073741824 : i32
      %broadcast_in_dim3A_570 = vector.broadcast %jit3A_569 : i32 to vector<544x512xi32>
      %select_n3A_571 = arith.select %eq3A_568, %concatenate3A_128, %broadcast_in_dim3A_570 : vector<544x512xi1>, vector<544x512xi32>
      %reduce_min3A_572 = arith.constant dense<2147483647> : vector<512xi32>
      %reduce_min3A_573 = vector.multi_reduction <minsi>, %select_n3A_571, %reduce_min3A_572 [0] : vector<544x512xi32> to vector<512xi32>
      %broadcast_in_dim3A_574 = vector.shape_cast %reduce_min3A_573 : vector<512xi32> to vector<1x512xi32>
      %eq3A_575 = vector.broadcast %broadcast_in_dim3A_574 : vector<1x512xi32> to vector<544x512xi32>
      %eq3A_576 = arith.cmpi eq, %concatenate3A_128, %eq3A_575 : vector<544x512xi32>
      %broadcast_in_dim3A_577 = vector.broadcast %while3A : f32 to vector<544x512xf32>
      %select_n3A_578 = arith.select %eq3A_576, %broadcast_in_dim3A_577, %select_n3A_563 : vector<544x512xi1>, vector<544x512xf32>
      %reduce_min3A_579 = arith.constant dense<0x7F800000> : vector<512xf32>
      %reduce_min3A_580 = vector.multi_reduction <minimumf>, %select_n3A_578, %reduce_min3A_579 [0] : vector<544x512xf32> to vector<512xf32>
      %broadcast_in_dim3A_581 = vector.shape_cast %reduce_min3A_580 : vector<512xf32> to vector<1x512xf32>
      %eq3A_582 = vector.broadcast %broadcast_in_dim3A_581 : vector<1x512xf32> to vector<544x512xf32>
      %eq3A_583 = arith.cmpf oeq, %select_n3A_578, %eq3A_582 : vector<544x512xf32>
      %jit3A_584 = arith.constant 1073741824 : i32
      %broadcast_in_dim3A_585 = vector.broadcast %jit3A_584 : i32 to vector<544x512xi32>
      %select_n3A_586 = arith.select %eq3A_583, %concatenate3A_128, %broadcast_in_dim3A_585 : vector<544x512xi1>, vector<544x512xi32>
      %reduce_min3A_587 = arith.constant dense<2147483647> : vector<512xi32>
      %reduce_min3A_588 = vector.multi_reduction <minsi>, %select_n3A_586, %reduce_min3A_587 [0] : vector<544x512xi32> to vector<512xi32>
      %broadcast_in_dim3A_589 = vector.shape_cast %reduce_min3A_588 : vector<512xi32> to vector<1x512xi32>
      %eq3A_590 = vector.broadcast %broadcast_in_dim3A_589 : vector<1x512xi32> to vector<544x512xi32>
      %eq3A_591 = arith.cmpi eq, %concatenate3A_128, %eq3A_590 : vector<544x512xi32>
      %broadcast_in_dim3A_592 = vector.broadcast %while3A : f32 to vector<544x512xf32>
      %select_n3A_593 = arith.select %eq3A_591, %broadcast_in_dim3A_592, %select_n3A_578 : vector<544x512xi1>, vector<544x512xf32>
      %reduce_min3A_594 = arith.constant dense<0x7F800000> : vector<512xf32>
      %reduce_min3A_595 = vector.multi_reduction <minimumf>, %select_n3A_593, %reduce_min3A_594 [0] : vector<544x512xf32> to vector<512xf32>
      %broadcast_in_dim3A_596 = vector.shape_cast %reduce_min3A_595 : vector<512xf32> to vector<1x512xf32>
      %eq3A_597 = vector.broadcast %broadcast_in_dim3A_596 : vector<1x512xf32> to vector<544x512xf32>
      %eq3A_598 = arith.cmpf oeq, %select_n3A_593, %eq3A_597 : vector<544x512xf32>
      %jit3A_599 = arith.constant 1073741824 : i32
      %broadcast_in_dim3A_600 = vector.broadcast %jit3A_599 : i32 to vector<544x512xi32>
      %select_n3A_601 = arith.select %eq3A_598, %concatenate3A_128, %broadcast_in_dim3A_600 : vector<544x512xi1>, vector<544x512xi32>
      %reduce_min3A_602 = arith.constant dense<2147483647> : vector<512xi32>
      %reduce_min3A_603 = vector.multi_reduction <minsi>, %select_n3A_601, %reduce_min3A_602 [0] : vector<544x512xi32> to vector<512xi32>
      %broadcast_in_dim3A_604 = vector.shape_cast %reduce_min3A_603 : vector<512xi32> to vector<1x512xi32>
      %eq3A_605 = vector.broadcast %broadcast_in_dim3A_604 : vector<1x512xi32> to vector<544x512xi32>
      %eq3A_606 = arith.cmpi eq, %concatenate3A_128, %eq3A_605 : vector<544x512xi32>
      %broadcast_in_dim3A_607 = vector.broadcast %while3A : f32 to vector<544x512xf32>
      %select_n3A_608 = arith.select %eq3A_606, %broadcast_in_dim3A_607, %select_n3A_593 : vector<544x512xi1>, vector<544x512xf32>
      %concatenate3A_609 = tpu.concatenate %broadcast_in_dim3A_131, %broadcast_in_dim3A_146, %broadcast_in_dim3A_161, %broadcast_in_dim3A_176, %broadcast_in_dim3A_191, %broadcast_in_dim3A_206, %broadcast_in_dim3A_221, %broadcast_in_dim3A_236, %broadcast_in_dim3A_251, %broadcast_in_dim3A_266, %broadcast_in_dim3A_281, %broadcast_in_dim3A_296, %broadcast_in_dim3A_311, %broadcast_in_dim3A_326, %broadcast_in_dim3A_341, %broadcast_in_dim3A_356, %broadcast_in_dim3A_371, %broadcast_in_dim3A_386, %broadcast_in_dim3A_401, %broadcast_in_dim3A_416, %broadcast_in_dim3A_431, %broadcast_in_dim3A_446, %broadcast_in_dim3A_461, %broadcast_in_dim3A_476, %broadcast_in_dim3A_491, %broadcast_in_dim3A_506, %broadcast_in_dim3A_521, %broadcast_in_dim3A_536, %broadcast_in_dim3A_551, %broadcast_in_dim3A_566, %broadcast_in_dim3A_581, %broadcast_in_dim3A_596 in 0 : vector<1x512xf32>, vector<1x512xf32>, vector<1x512xf32>, vector<1x512xf32>, vector<1x512xf32>, vector<1x512xf32>, vector<1x512xf32>, vector<1x512xf32>, vector<1x512xf32>, vector<1x512xf32>, vector<1x512xf32>, vector<1x512xf32>, vector<1x512xf32>, vector<1x512xf32>, vector<1x512xf32>, vector<1x512xf32>, vector<1x512xf32>, vector<1x512xf32>, vector<1x512xf32>, vector<1x512xf32>, vector<1x512xf32>, vector<1x512xf32>, vector<1x512xf32>, vector<1x512xf32>, vector<1x512xf32>, vector<1x512xf32>, vector<1x512xf32>, vector<1x512xf32>, vector<1x512xf32>, vector<1x512xf32>, vector<1x512xf32>, vector<1x512xf32> -> vector<32x512xf32>
      %concatenate3A_610 = tpu.concatenate %broadcast_in_dim3A_139, %broadcast_in_dim3A_154, %broadcast_in_dim3A_169, %broadcast_in_dim3A_184, %broadcast_in_dim3A_199, %broadcast_in_dim3A_214, %broadcast_in_dim3A_229, %broadcast_in_dim3A_244, %broadcast_in_dim3A_259, %broadcast_in_dim3A_274, %broadcast_in_dim3A_289, %broadcast_in_dim3A_304, %broadcast_in_dim3A_319, %broadcast_in_dim3A_334, %broadcast_in_dim3A_349, %broadcast_in_dim3A_364, %broadcast_in_dim3A_379, %broadcast_in_dim3A_394, %broadcast_in_dim3A_409, %broadcast_in_dim3A_424, %broadcast_in_dim3A_439, %broadcast_in_dim3A_454, %broadcast_in_dim3A_469, %broadcast_in_dim3A_484, %broadcast_in_dim3A_499, %broadcast_in_dim3A_514, %broadcast_in_dim3A_529, %broadcast_in_dim3A_544, %broadcast_in_dim3A_559, %broadcast_in_dim3A_574, %broadcast_in_dim3A_589, %broadcast_in_dim3A_604 in 0 : vector<1x512xi32>, vector<1x512xi32>, vector<1x512xi32>, vector<1x512xi32>, vector<1x512xi32>, vector<1x512xi32>, vector<1x512xi32>, vector<1x512xi32>, vector<1x512xi32>, vector<1x512xi32>, vector<1x512xi32>, vector<1x512xi32>, vector<1x512xi32>, vector<1x512xi32>, vector<1x512xi32>, vector<1x512xi32>, vector<1x512xi32>, vector<1x512xi32>, vector<1x512xi32>, vector<1x512xi32>, vector<1x512xi32>, vector<1x512xi32>, vector<1x512xi32>, vector<1x512xi32>, vector<1x512xi32>, vector<1x512xi32>, vector<1x512xi32>, vector<1x512xi32>, vector<1x512xi32>, vector<1x512xi32>, vector<1x512xi32>, vector<1x512xi32> -> vector<32x512xi32>
      scf.yield %concatenate3A_609, %concatenate3A_610 : vector<32x512xf32>, vector<32x512xi32>
    }
    %while3A_88 = arith.constant 1 : i32
    %while3A_89:2 = scf.for %while3A_92 = %while3A_85 to %while3A_81 step %while3A_88 iter_args(%while3A_93 = %while3A_87#0, %while3A_94 = %while3A_87#1) -> (vector<32x512xf32>, vector<32x512xi32>)  : i32 {
      %mul3A_95 = arith.constant 512 : i32
      %mul3A_96 = arith.muli %while3A_92, %mul3A_95 : i32
      %add3A_97 = arith.addi %mul3A_46, %mul3A_96 : i32
      %get3A_98 = arith.index_cast %add3A_97 : i32 to index
      %get3A_99 = arith.constant 0 : index
      %get3A_100 = vector.load %arg3[%get3A_98, %get3A_99] : memref<10752x3xf32, #tpu.memory_space<vmem>>, vector<512x3xf32>
      %get3A_101 = arith.index_cast %add3A_97 : i32 to index
      %get3A_102 = arith.constant 0 : index
      %get3A_103 = vector.load %arg4[%get3A_101, %get3A_102] : memref<10752x1xi32, #tpu.memory_space<vmem>>, vector<512x1xi32>
      %slice3A_104 = vector.extract_strided_slice %get3A_100 {offsets = [0, 0], sizes = [512, 1], strides = [1, 1]} : vector<512x3xf32> to vector<512x1xf32>
      %sub3A_105 = vector.broadcast %slice3A_104 : vector<512x1xf32> to vector<512x512xf32>
      %sub3A_106 = vector.broadcast %slice3A : vector<1x512xf32> to vector<512x512xf32>
      %sub3A_107 = arith.subf %sub3A_105, %sub3A_106 : vector<512x512xf32>
      %slice3A_108 = vector.extract_strided_slice %get3A_100 {offsets = [0, 1], sizes = [512, 1], strides = [1, 1]} : vector<512x3xf32> to vector<512x1xf32>
      %sub3A_109 = vector.broadcast %slice3A_108 : vector<512x1xf32> to vector<512x512xf32>
      %sub3A_110 = vector.broadcast %slice3A_2 : vector<1x512xf32> to vector<512x512xf32>
      %sub3A_111 = arith.subf %sub3A_109, %sub3A_110 : vector<512x512xf32>
      %slice3A_112 = vector.extract_strided_slice %get3A_100 {offsets = [0, 2], sizes = [512, 1], strides = [1, 1]} : vector<512x3xf32> to vector<512x1xf32>
      %sub3A_113 = vector.broadcast %slice3A_112 : vector<512x1xf32> to vector<512x512xf32>
      %sub3A_114 = vector.broadcast %slice3A_3 : vector<1x512xf32> to vector<512x512xf32>
      %sub3A_115 = arith.subf %sub3A_113, %sub3A_114 : vector<512x512xf32>
      %mul3A_116 = arith.mulf %sub3A_107, %sub3A_107 : vector<512x512xf32>
      %mul3A_117 = arith.mulf %sub3A_111, %sub3A_111 : vector<512x512xf32>
      %add3A_118 = arith.addf %mul3A_116, %mul3A_117 : vector<512x512xf32>
      %mul3A_119 = arith.mulf %sub3A_115, %sub3A_115 : vector<512x512xf32>
      %add3A_120 = arith.addf %add3A_118, %mul3A_119 : vector<512x512xf32>
      %eq3A = vector.broadcast %get3A_103 : vector<512x1xi32> to vector<512x512xi32>
      %eq3A_121 = vector.broadcast %get3A_6 : vector<1x512xi32> to vector<512x512xi32>
      %eq3A_122 = arith.cmpi eq, %eq3A, %eq3A_121 : vector<512x512xi32>
      %broadcast_in_dim3A_123 = vector.broadcast %while3A : f32 to vector<512x512xf32>
      %select_n3A_124 = arith.select %eq3A_122, %add3A_120, %broadcast_in_dim3A_123 : vector<512x512xi1>, vector<512x512xf32>
      %iota3A_125 = tpu.iota {dimensions = array<i32: 0>} : vector<512x512xi32>
      %add3A_126 = vector.broadcast %add3A_97 : i32 to vector<512x512xi32>
      %add3A_127 = arith.addi %iota3A_125, %add3A_126 : vector<512x512xi32>
      %concatenate3A = tpu.concatenate %while3A_93, %select_n3A_124 in 0 : vector<32x512xf32>, vector<512x512xf32> -> vector<544x512xf32>
      %concatenate3A_128 = tpu.concatenate %while3A_94, %add3A_127 in 0 : vector<32x512xi32>, vector<512x512xi32> -> vector<544x512xi32>
      %reduce_min3A_129 = arith.constant dense<0x7F800000> : vector<512xf32>
      %reduce_min3A_130 = vector.multi_reduction <minimumf>, %concatenate3A, %reduce_min3A_129 [0] : vector<544x512xf32> to vector<512xf32>
      %broadcast_in_dim3A_131 = vector.shape_cast %reduce_min3A_130 : vector<512xf32> to vector<1x512xf32>
      %eq3A_132 = vector.broadcast %broadcast_in_dim3A_131 : vector<1x512xf32> to vector<544x512xf32>
      %eq3A_133 = arith.cmpf oeq, %concatenate3A, %eq3A_132 : vector<544x512xf32>
      %jit3A_134 = arith.constant 1073741824 : i32
      %broadcast_in_dim3A_135 = vector.broadcast %jit3A_134 : i32 to vector<544x512xi32>
      %select_n3A_136 = arith.select %eq3A_133, %concatenate3A_128, %broadcast_in_dim3A_135 : vector<544x512xi1>, vector<544x512xi32>
      %reduce_min3A_137 = arith.constant dense<2147483647> : vector<512xi32>
      %reduce_min3A_138 = vector.multi_reduction <minsi>, %select_n3A_136, %reduce_min3A_137 [0] : vector<544x512xi32> to vector<512xi32>
      %broadcast_in_dim3A_139 = vector.shape_cast %reduce_min3A_138 : vector<512xi32> to vector<1x512xi32>
      %eq3A_140 = vector.broadcast %broadcast_in_dim3A_139 : vector<1x512xi32> to vector<544x512xi32>
      %eq3A_141 = arith.cmpi eq, %concatenate3A_128, %eq3A_140 : vector<544x512xi32>
      %broadcast_in_dim3A_142 = vector.broadcast %while3A : f32 to vector<544x512xf32>
      %select_n3A_143 = arith.select %eq3A_141, %broadcast_in_dim3A_142, %concatenate3A : vector<544x512xi1>, vector<544x512xf32>
      %reduce_min3A_144 = arith.constant dense<0x7F800000> : vector<512xf32>
      %reduce_min3A_145 = vector.multi_reduction <minimumf>, %select_n3A_143, %reduce_min3A_144 [0] : vector<544x512xf32> to vector<512xf32>
      %broadcast_in_dim3A_146 = vector.shape_cast %reduce_min3A_145 : vector<512xf32> to vector<1x512xf32>
      %eq3A_147 = vector.broadcast %broadcast_in_dim3A_146 : vector<1x512xf32> to vector<544x512xf32>
      %eq3A_148 = arith.cmpf oeq, %select_n3A_143, %eq3A_147 : vector<544x512xf32>
      %jit3A_149 = arith.constant 1073741824 : i32
      %broadcast_in_dim3A_150 = vector.broadcast %jit3A_149 : i32 to vector<544x512xi32>
      %select_n3A_151 = arith.select %eq3A_148, %concatenate3A_128, %broadcast_in_dim3A_150 : vector<544x512xi1>, vector<544x512xi32>
      %reduce_min3A_152 = arith.constant dense<2147483647> : vector<512xi32>
      %reduce_min3A_153 = vector.multi_reduction <minsi>, %select_n3A_151, %reduce_min3A_152 [0] : vector<544x512xi32> to vector<512xi32>
      %broadcast_in_dim3A_154 = vector.shape_cast %reduce_min3A_153 : vector<512xi32> to vector<1x512xi32>
      %eq3A_155 = vector.broadcast %broadcast_in_dim3A_154 : vector<1x512xi32> to vector<544x512xi32>
      %eq3A_156 = arith.cmpi eq, %concatenate3A_128, %eq3A_155 : vector<544x512xi32>
      %broadcast_in_dim3A_157 = vector.broadcast %while3A : f32 to vector<544x512xf32>
      %select_n3A_158 = arith.select %eq3A_156, %broadcast_in_dim3A_157, %select_n3A_143 : vector<544x512xi1>, vector<544x512xf32>
      %reduce_min3A_159 = arith.constant dense<0x7F800000> : vector<512xf32>
      %reduce_min3A_160 = vector.multi_reduction <minimumf>, %select_n3A_158, %reduce_min3A_159 [0] : vector<544x512xf32> to vector<512xf32>
      %broadcast_in_dim3A_161 = vector.shape_cast %reduce_min3A_160 : vector<512xf32> to vector<1x512xf32>
      %eq3A_162 = vector.broadcast %broadcast_in_dim3A_161 : vector<1x512xf32> to vector<544x512xf32>
      %eq3A_163 = arith.cmpf oeq, %select_n3A_158, %eq3A_162 : vector<544x512xf32>
      %jit3A_164 = arith.constant 1073741824 : i32
      %broadcast_in_dim3A_165 = vector.broadcast %jit3A_164 : i32 to vector<544x512xi32>
      %select_n3A_166 = arith.select %eq3A_163, %concatenate3A_128, %broadcast_in_dim3A_165 : vector<544x512xi1>, vector<544x512xi32>
      %reduce_min3A_167 = arith.constant dense<2147483647> : vector<512xi32>
      %reduce_min3A_168 = vector.multi_reduction <minsi>, %select_n3A_166, %reduce_min3A_167 [0] : vector<544x512xi32> to vector<512xi32>
      %broadcast_in_dim3A_169 = vector.shape_cast %reduce_min3A_168 : vector<512xi32> to vector<1x512xi32>
      %eq3A_170 = vector.broadcast %broadcast_in_dim3A_169 : vector<1x512xi32> to vector<544x512xi32>
      %eq3A_171 = arith.cmpi eq, %concatenate3A_128, %eq3A_170 : vector<544x512xi32>
      %broadcast_in_dim3A_172 = vector.broadcast %while3A : f32 to vector<544x512xf32>
      %select_n3A_173 = arith.select %eq3A_171, %broadcast_in_dim3A_172, %select_n3A_158 : vector<544x512xi1>, vector<544x512xf32>
      %reduce_min3A_174 = arith.constant dense<0x7F800000> : vector<512xf32>
      %reduce_min3A_175 = vector.multi_reduction <minimumf>, %select_n3A_173, %reduce_min3A_174 [0] : vector<544x512xf32> to vector<512xf32>
      %broadcast_in_dim3A_176 = vector.shape_cast %reduce_min3A_175 : vector<512xf32> to vector<1x512xf32>
      %eq3A_177 = vector.broadcast %broadcast_in_dim3A_176 : vector<1x512xf32> to vector<544x512xf32>
      %eq3A_178 = arith.cmpf oeq, %select_n3A_173, %eq3A_177 : vector<544x512xf32>
      %jit3A_179 = arith.constant 1073741824 : i32
      %broadcast_in_dim3A_180 = vector.broadcast %jit3A_179 : i32 to vector<544x512xi32>
      %select_n3A_181 = arith.select %eq3A_178, %concatenate3A_128, %broadcast_in_dim3A_180 : vector<544x512xi1>, vector<544x512xi32>
      %reduce_min3A_182 = arith.constant dense<2147483647> : vector<512xi32>
      %reduce_min3A_183 = vector.multi_reduction <minsi>, %select_n3A_181, %reduce_min3A_182 [0] : vector<544x512xi32> to vector<512xi32>
      %broadcast_in_dim3A_184 = vector.shape_cast %reduce_min3A_183 : vector<512xi32> to vector<1x512xi32>
      %eq3A_185 = vector.broadcast %broadcast_in_dim3A_184 : vector<1x512xi32> to vector<544x512xi32>
      %eq3A_186 = arith.cmpi eq, %concatenate3A_128, %eq3A_185 : vector<544x512xi32>
      %broadcast_in_dim3A_187 = vector.broadcast %while3A : f32 to vector<544x512xf32>
      %select_n3A_188 = arith.select %eq3A_186, %broadcast_in_dim3A_187, %select_n3A_173 : vector<544x512xi1>, vector<544x512xf32>
      %reduce_min3A_189 = arith.constant dense<0x7F800000> : vector<512xf32>
      %reduce_min3A_190 = vector.multi_reduction <minimumf>, %select_n3A_188, %reduce_min3A_189 [0] : vector<544x512xf32> to vector<512xf32>
      %broadcast_in_dim3A_191 = vector.shape_cast %reduce_min3A_190 : vector<512xf32> to vector<1x512xf32>
      %eq3A_192 = vector.broadcast %broadcast_in_dim3A_191 : vector<1x512xf32> to vector<544x512xf32>
      %eq3A_193 = arith.cmpf oeq, %select_n3A_188, %eq3A_192 : vector<544x512xf32>
      %jit3A_194 = arith.constant 1073741824 : i32
      %broadcast_in_dim3A_195 = vector.broadcast %jit3A_194 : i32 to vector<544x512xi32>
      %select_n3A_196 = arith.select %eq3A_193, %concatenate3A_128, %broadcast_in_dim3A_195 : vector<544x512xi1>, vector<544x512xi32>
      %reduce_min3A_197 = arith.constant dense<2147483647> : vector<512xi32>
      %reduce_min3A_198 = vector.multi_reduction <minsi>, %select_n3A_196, %reduce_min3A_197 [0] : vector<544x512xi32> to vector<512xi32>
      %broadcast_in_dim3A_199 = vector.shape_cast %reduce_min3A_198 : vector<512xi32> to vector<1x512xi32>
      %eq3A_200 = vector.broadcast %broadcast_in_dim3A_199 : vector<1x512xi32> to vector<544x512xi32>
      %eq3A_201 = arith.cmpi eq, %concatenate3A_128, %eq3A_200 : vector<544x512xi32>
      %broadcast_in_dim3A_202 = vector.broadcast %while3A : f32 to vector<544x512xf32>
      %select_n3A_203 = arith.select %eq3A_201, %broadcast_in_dim3A_202, %select_n3A_188 : vector<544x512xi1>, vector<544x512xf32>
      %reduce_min3A_204 = arith.constant dense<0x7F800000> : vector<512xf32>
      %reduce_min3A_205 = vector.multi_reduction <minimumf>, %select_n3A_203, %reduce_min3A_204 [0] : vector<544x512xf32> to vector<512xf32>
      %broadcast_in_dim3A_206 = vector.shape_cast %reduce_min3A_205 : vector<512xf32> to vector<1x512xf32>
      %eq3A_207 = vector.broadcast %broadcast_in_dim3A_206 : vector<1x512xf32> to vector<544x512xf32>
      %eq3A_208 = arith.cmpf oeq, %select_n3A_203, %eq3A_207 : vector<544x512xf32>
      %jit3A_209 = arith.constant 1073741824 : i32
      %broadcast_in_dim3A_210 = vector.broadcast %jit3A_209 : i32 to vector<544x512xi32>
      %select_n3A_211 = arith.select %eq3A_208, %concatenate3A_128, %broadcast_in_dim3A_210 : vector<544x512xi1>, vector<544x512xi32>
      %reduce_min3A_212 = arith.constant dense<2147483647> : vector<512xi32>
      %reduce_min3A_213 = vector.multi_reduction <minsi>, %select_n3A_211, %reduce_min3A_212 [0] : vector<544x512xi32> to vector<512xi32>
      %broadcast_in_dim3A_214 = vector.shape_cast %reduce_min3A_213 : vector<512xi32> to vector<1x512xi32>
      %eq3A_215 = vector.broadcast %broadcast_in_dim3A_214 : vector<1x512xi32> to vector<544x512xi32>
      %eq3A_216 = arith.cmpi eq, %concatenate3A_128, %eq3A_215 : vector<544x512xi32>
      %broadcast_in_dim3A_217 = vector.broadcast %while3A : f32 to vector<544x512xf32>
      %select_n3A_218 = arith.select %eq3A_216, %broadcast_in_dim3A_217, %select_n3A_203 : vector<544x512xi1>, vector<544x512xf32>
      %reduce_min3A_219 = arith.constant dense<0x7F800000> : vector<512xf32>
      %reduce_min3A_220 = vector.multi_reduction <minimumf>, %select_n3A_218, %reduce_min3A_219 [0] : vector<544x512xf32> to vector<512xf32>
      %broadcast_in_dim3A_221 = vector.shape_cast %reduce_min3A_220 : vector<512xf32> to vector<1x512xf32>
      %eq3A_222 = vector.broadcast %broadcast_in_dim3A_221 : vector<1x512xf32> to vector<544x512xf32>
      %eq3A_223 = arith.cmpf oeq, %select_n3A_218, %eq3A_222 : vector<544x512xf32>
      %jit3A_224 = arith.constant 1073741824 : i32
      %broadcast_in_dim3A_225 = vector.broadcast %jit3A_224 : i32 to vector<544x512xi32>
      %select_n3A_226 = arith.select %eq3A_223, %concatenate3A_128, %broadcast_in_dim3A_225 : vector<544x512xi1>, vector<544x512xi32>
      %reduce_min3A_227 = arith.constant dense<2147483647> : vector<512xi32>
      %reduce_min3A_228 = vector.multi_reduction <minsi>, %select_n3A_226, %reduce_min3A_227 [0] : vector<544x512xi32> to vector<512xi32>
      %broadcast_in_dim3A_229 = vector.shape_cast %reduce_min3A_228 : vector<512xi32> to vector<1x512xi32>
      %eq3A_230 = vector.broadcast %broadcast_in_dim3A_229 : vector<1x512xi32> to vector<544x512xi32>
      %eq3A_231 = arith.cmpi eq, %concatenate3A_128, %eq3A_230 : vector<544x512xi32>
      %broadcast_in_dim3A_232 = vector.broadcast %while3A : f32 to vector<544x512xf32>
      %select_n3A_233 = arith.select %eq3A_231, %broadcast_in_dim3A_232, %select_n3A_218 : vector<544x512xi1>, vector<544x512xf32>
      %reduce_min3A_234 = arith.constant dense<0x7F800000> : vector<512xf32>
      %reduce_min3A_235 = vector.multi_reduction <minimumf>, %select_n3A_233, %reduce_min3A_234 [0] : vector<544x512xf32> to vector<512xf32>
      %broadcast_in_dim3A_236 = vector.shape_cast %reduce_min3A_235 : vector<512xf32> to vector<1x512xf32>
      %eq3A_237 = vector.broadcast %broadcast_in_dim3A_236 : vector<1x512xf32> to vector<544x512xf32>
      %eq3A_238 = arith.cmpf oeq, %select_n3A_233, %eq3A_237 : vector<544x512xf32>
      %jit3A_239 = arith.constant 1073741824 : i32
      %broadcast_in_dim3A_240 = vector.broadcast %jit3A_239 : i32 to vector<544x512xi32>
      %select_n3A_241 = arith.select %eq3A_238, %concatenate3A_128, %broadcast_in_dim3A_240 : vector<544x512xi1>, vector<544x512xi32>
      %reduce_min3A_242 = arith.constant dense<2147483647> : vector<512xi32>
      %reduce_min3A_243 = vector.multi_reduction <minsi>, %select_n3A_241, %reduce_min3A_242 [0] : vector<544x512xi32> to vector<512xi32>
      %broadcast_in_dim3A_244 = vector.shape_cast %reduce_min3A_243 : vector<512xi32> to vector<1x512xi32>
      %eq3A_245 = vector.broadcast %broadcast_in_dim3A_244 : vector<1x512xi32> to vector<544x512xi32>
      %eq3A_246 = arith.cmpi eq, %concatenate3A_128, %eq3A_245 : vector<544x512xi32>
      %broadcast_in_dim3A_247 = vector.broadcast %while3A : f32 to vector<544x512xf32>
      %select_n3A_248 = arith.select %eq3A_246, %broadcast_in_dim3A_247, %select_n3A_233 : vector<544x512xi1>, vector<544x512xf32>
      %reduce_min3A_249 = arith.constant dense<0x7F800000> : vector<512xf32>
      %reduce_min3A_250 = vector.multi_reduction <minimumf>, %select_n3A_248, %reduce_min3A_249 [0] : vector<544x512xf32> to vector<512xf32>
      %broadcast_in_dim3A_251 = vector.shape_cast %reduce_min3A_250 : vector<512xf32> to vector<1x512xf32>
      %eq3A_252 = vector.broadcast %broadcast_in_dim3A_251 : vector<1x512xf32> to vector<544x512xf32>
      %eq3A_253 = arith.cmpf oeq, %select_n3A_248, %eq3A_252 : vector<544x512xf32>
      %jit3A_254 = arith.constant 1073741824 : i32
      %broadcast_in_dim3A_255 = vector.broadcast %jit3A_254 : i32 to vector<544x512xi32>
      %select_n3A_256 = arith.select %eq3A_253, %concatenate3A_128, %broadcast_in_dim3A_255 : vector<544x512xi1>, vector<544x512xi32>
      %reduce_min3A_257 = arith.constant dense<2147483647> : vector<512xi32>
      %reduce_min3A_258 = vector.multi_reduction <minsi>, %select_n3A_256, %reduce_min3A_257 [0] : vector<544x512xi32> to vector<512xi32>
      %broadcast_in_dim3A_259 = vector.shape_cast %reduce_min3A_258 : vector<512xi32> to vector<1x512xi32>
      %eq3A_260 = vector.broadcast %broadcast_in_dim3A_259 : vector<1x512xi32> to vector<544x512xi32>
      %eq3A_261 = arith.cmpi eq, %concatenate3A_128, %eq3A_260 : vector<544x512xi32>
      %broadcast_in_dim3A_262 = vector.broadcast %while3A : f32 to vector<544x512xf32>
      %select_n3A_263 = arith.select %eq3A_261, %broadcast_in_dim3A_262, %select_n3A_248 : vector<544x512xi1>, vector<544x512xf32>
      %reduce_min3A_264 = arith.constant dense<0x7F800000> : vector<512xf32>
      %reduce_min3A_265 = vector.multi_reduction <minimumf>, %select_n3A_263, %reduce_min3A_264 [0] : vector<544x512xf32> to vector<512xf32>
      %broadcast_in_dim3A_266 = vector.shape_cast %reduce_min3A_265 : vector<512xf32> to vector<1x512xf32>
      %eq3A_267 = vector.broadcast %broadcast_in_dim3A_266 : vector<1x512xf32> to vector<544x512xf32>
      %eq3A_268 = arith.cmpf oeq, %select_n3A_263, %eq3A_267 : vector<544x512xf32>
      %jit3A_269 = arith.constant 1073741824 : i32
      %broadcast_in_dim3A_270 = vector.broadcast %jit3A_269 : i32 to vector<544x512xi32>
      %select_n3A_271 = arith.select %eq3A_268, %concatenate3A_128, %broadcast_in_dim3A_270 : vector<544x512xi1>, vector<544x512xi32>
      %reduce_min3A_272 = arith.constant dense<2147483647> : vector<512xi32>
      %reduce_min3A_273 = vector.multi_reduction <minsi>, %select_n3A_271, %reduce_min3A_272 [0] : vector<544x512xi32> to vector<512xi32>
      %broadcast_in_dim3A_274 = vector.shape_cast %reduce_min3A_273 : vector<512xi32> to vector<1x512xi32>
      %eq3A_275 = vector.broadcast %broadcast_in_dim3A_274 : vector<1x512xi32> to vector<544x512xi32>
      %eq3A_276 = arith.cmpi eq, %concatenate3A_128, %eq3A_275 : vector<544x512xi32>
      %broadcast_in_dim3A_277 = vector.broadcast %while3A : f32 to vector<544x512xf32>
      %select_n3A_278 = arith.select %eq3A_276, %broadcast_in_dim3A_277, %select_n3A_263 : vector<544x512xi1>, vector<544x512xf32>
      %reduce_min3A_279 = arith.constant dense<0x7F800000> : vector<512xf32>
      %reduce_min3A_280 = vector.multi_reduction <minimumf>, %select_n3A_278, %reduce_min3A_279 [0] : vector<544x512xf32> to vector<512xf32>
      %broadcast_in_dim3A_281 = vector.shape_cast %reduce_min3A_280 : vector<512xf32> to vector<1x512xf32>
      %eq3A_282 = vector.broadcast %broadcast_in_dim3A_281 : vector<1x512xf32> to vector<544x512xf32>
      %eq3A_283 = arith.cmpf oeq, %select_n3A_278, %eq3A_282 : vector<544x512xf32>
      %jit3A_284 = arith.constant 1073741824 : i32
      %broadcast_in_dim3A_285 = vector.broadcast %jit3A_284 : i32 to vector<544x512xi32>
      %select_n3A_286 = arith.select %eq3A_283, %concatenate3A_128, %broadcast_in_dim3A_285 : vector<544x512xi1>, vector<544x512xi32>
      %reduce_min3A_287 = arith.constant dense<2147483647> : vector<512xi32>
      %reduce_min3A_288 = vector.multi_reduction <minsi>, %select_n3A_286, %reduce_min3A_287 [0] : vector<544x512xi32> to vector<512xi32>
      %broadcast_in_dim3A_289 = vector.shape_cast %reduce_min3A_288 : vector<512xi32> to vector<1x512xi32>
      %eq3A_290 = vector.broadcast %broadcast_in_dim3A_289 : vector<1x512xi32> to vector<544x512xi32>
      %eq3A_291 = arith.cmpi eq, %concatenate3A_128, %eq3A_290 : vector<544x512xi32>
      %broadcast_in_dim3A_292 = vector.broadcast %while3A : f32 to vector<544x512xf32>
      %select_n3A_293 = arith.select %eq3A_291, %broadcast_in_dim3A_292, %select_n3A_278 : vector<544x512xi1>, vector<544x512xf32>
      %reduce_min3A_294 = arith.constant dense<0x7F800000> : vector<512xf32>
      %reduce_min3A_295 = vector.multi_reduction <minimumf>, %select_n3A_293, %reduce_min3A_294 [0] : vector<544x512xf32> to vector<512xf32>
      %broadcast_in_dim3A_296 = vector.shape_cast %reduce_min3A_295 : vector<512xf32> to vector<1x512xf32>
      %eq3A_297 = vector.broadcast %broadcast_in_dim3A_296 : vector<1x512xf32> to vector<544x512xf32>
      %eq3A_298 = arith.cmpf oeq, %select_n3A_293, %eq3A_297 : vector<544x512xf32>
      %jit3A_299 = arith.constant 1073741824 : i32
      %broadcast_in_dim3A_300 = vector.broadcast %jit3A_299 : i32 to vector<544x512xi32>
      %select_n3A_301 = arith.select %eq3A_298, %concatenate3A_128, %broadcast_in_dim3A_300 : vector<544x512xi1>, vector<544x512xi32>
      %reduce_min3A_302 = arith.constant dense<2147483647> : vector<512xi32>
      %reduce_min3A_303 = vector.multi_reduction <minsi>, %select_n3A_301, %reduce_min3A_302 [0] : vector<544x512xi32> to vector<512xi32>
      %broadcast_in_dim3A_304 = vector.shape_cast %reduce_min3A_303 : vector<512xi32> to vector<1x512xi32>
      %eq3A_305 = vector.broadcast %broadcast_in_dim3A_304 : vector<1x512xi32> to vector<544x512xi32>
      %eq3A_306 = arith.cmpi eq, %concatenate3A_128, %eq3A_305 : vector<544x512xi32>
      %broadcast_in_dim3A_307 = vector.broadcast %while3A : f32 to vector<544x512xf32>
      %select_n3A_308 = arith.select %eq3A_306, %broadcast_in_dim3A_307, %select_n3A_293 : vector<544x512xi1>, vector<544x512xf32>
      %reduce_min3A_309 = arith.constant dense<0x7F800000> : vector<512xf32>
      %reduce_min3A_310 = vector.multi_reduction <minimumf>, %select_n3A_308, %reduce_min3A_309 [0] : vector<544x512xf32> to vector<512xf32>
      %broadcast_in_dim3A_311 = vector.shape_cast %reduce_min3A_310 : vector<512xf32> to vector<1x512xf32>
      %eq3A_312 = vector.broadcast %broadcast_in_dim3A_311 : vector<1x512xf32> to vector<544x512xf32>
      %eq3A_313 = arith.cmpf oeq, %select_n3A_308, %eq3A_312 : vector<544x512xf32>
      %jit3A_314 = arith.constant 1073741824 : i32
      %broadcast_in_dim3A_315 = vector.broadcast %jit3A_314 : i32 to vector<544x512xi32>
      %select_n3A_316 = arith.select %eq3A_313, %concatenate3A_128, %broadcast_in_dim3A_315 : vector<544x512xi1>, vector<544x512xi32>
      %reduce_min3A_317 = arith.constant dense<2147483647> : vector<512xi32>
      %reduce_min3A_318 = vector.multi_reduction <minsi>, %select_n3A_316, %reduce_min3A_317 [0] : vector<544x512xi32> to vector<512xi32>
      %broadcast_in_dim3A_319 = vector.shape_cast %reduce_min3A_318 : vector<512xi32> to vector<1x512xi32>
      %eq3A_320 = vector.broadcast %broadcast_in_dim3A_319 : vector<1x512xi32> to vector<544x512xi32>
      %eq3A_321 = arith.cmpi eq, %concatenate3A_128, %eq3A_320 : vector<544x512xi32>
      %broadcast_in_dim3A_322 = vector.broadcast %while3A : f32 to vector<544x512xf32>
      %select_n3A_323 = arith.select %eq3A_321, %broadcast_in_dim3A_322, %select_n3A_308 : vector<544x512xi1>, vector<544x512xf32>
      %reduce_min3A_324 = arith.constant dense<0x7F800000> : vector<512xf32>
      %reduce_min3A_325 = vector.multi_reduction <minimumf>, %select_n3A_323, %reduce_min3A_324 [0] : vector<544x512xf32> to vector<512xf32>
      %broadcast_in_dim3A_326 = vector.shape_cast %reduce_min3A_325 : vector<512xf32> to vector<1x512xf32>
      %eq3A_327 = vector.broadcast %broadcast_in_dim3A_326 : vector<1x512xf32> to vector<544x512xf32>
      %eq3A_328 = arith.cmpf oeq, %select_n3A_323, %eq3A_327 : vector<544x512xf32>
      %jit3A_329 = arith.constant 1073741824 : i32
      %broadcast_in_dim3A_330 = vector.broadcast %jit3A_329 : i32 to vector<544x512xi32>
      %select_n3A_331 = arith.select %eq3A_328, %concatenate3A_128, %broadcast_in_dim3A_330 : vector<544x512xi1>, vector<544x512xi32>
      %reduce_min3A_332 = arith.constant dense<2147483647> : vector<512xi32>
      %reduce_min3A_333 = vector.multi_reduction <minsi>, %select_n3A_331, %reduce_min3A_332 [0] : vector<544x512xi32> to vector<512xi32>
      %broadcast_in_dim3A_334 = vector.shape_cast %reduce_min3A_333 : vector<512xi32> to vector<1x512xi32>
      %eq3A_335 = vector.broadcast %broadcast_in_dim3A_334 : vector<1x512xi32> to vector<544x512xi32>
      %eq3A_336 = arith.cmpi eq, %concatenate3A_128, %eq3A_335 : vector<544x512xi32>
      %broadcast_in_dim3A_337 = vector.broadcast %while3A : f32 to vector<544x512xf32>
      %select_n3A_338 = arith.select %eq3A_336, %broadcast_in_dim3A_337, %select_n3A_323 : vector<544x512xi1>, vector<544x512xf32>
      %reduce_min3A_339 = arith.constant dense<0x7F800000> : vector<512xf32>
      %reduce_min3A_340 = vector.multi_reduction <minimumf>, %select_n3A_338, %reduce_min3A_339 [0] : vector<544x512xf32> to vector<512xf32>
      %broadcast_in_dim3A_341 = vector.shape_cast %reduce_min3A_340 : vector<512xf32> to vector<1x512xf32>
      %eq3A_342 = vector.broadcast %broadcast_in_dim3A_341 : vector<1x512xf32> to vector<544x512xf32>
      %eq3A_343 = arith.cmpf oeq, %select_n3A_338, %eq3A_342 : vector<544x512xf32>
      %jit3A_344 = arith.constant 1073741824 : i32
      %broadcast_in_dim3A_345 = vector.broadcast %jit3A_344 : i32 to vector<544x512xi32>
      %select_n3A_346 = arith.select %eq3A_343, %concatenate3A_128, %broadcast_in_dim3A_345 : vector<544x512xi1>, vector<544x512xi32>
      %reduce_min3A_347 = arith.constant dense<2147483647> : vector<512xi32>
      %reduce_min3A_348 = vector.multi_reduction <minsi>, %select_n3A_346, %reduce_min3A_347 [0] : vector<544x512xi32> to vector<512xi32>
      %broadcast_in_dim3A_349 = vector.shape_cast %reduce_min3A_348 : vector<512xi32> to vector<1x512xi32>
      %eq3A_350 = vector.broadcast %broadcast_in_dim3A_349 : vector<1x512xi32> to vector<544x512xi32>
      %eq3A_351 = arith.cmpi eq, %concatenate3A_128, %eq3A_350 : vector<544x512xi32>
      %broadcast_in_dim3A_352 = vector.broadcast %while3A : f32 to vector<544x512xf32>
      %select_n3A_353 = arith.select %eq3A_351, %broadcast_in_dim3A_352, %select_n3A_338 : vector<544x512xi1>, vector<544x512xf32>
      %reduce_min3A_354 = arith.constant dense<0x7F800000> : vector<512xf32>
      %reduce_min3A_355 = vector.multi_reduction <minimumf>, %select_n3A_353, %reduce_min3A_354 [0] : vector<544x512xf32> to vector<512xf32>
      %broadcast_in_dim3A_356 = vector.shape_cast %reduce_min3A_355 : vector<512xf32> to vector<1x512xf32>
      %eq3A_357 = vector.broadcast %broadcast_in_dim3A_356 : vector<1x512xf32> to vector<544x512xf32>
      %eq3A_358 = arith.cmpf oeq, %select_n3A_353, %eq3A_357 : vector<544x512xf32>
      %jit3A_359 = arith.constant 1073741824 : i32
      %broadcast_in_dim3A_360 = vector.broadcast %jit3A_359 : i32 to vector<544x512xi32>
      %select_n3A_361 = arith.select %eq3A_358, %concatenate3A_128, %broadcast_in_dim3A_360 : vector<544x512xi1>, vector<544x512xi32>
      %reduce_min3A_362 = arith.constant dense<2147483647> : vector<512xi32>
      %reduce_min3A_363 = vector.multi_reduction <minsi>, %select_n3A_361, %reduce_min3A_362 [0] : vector<544x512xi32> to vector<512xi32>
      %broadcast_in_dim3A_364 = vector.shape_cast %reduce_min3A_363 : vector<512xi32> to vector<1x512xi32>
      %eq3A_365 = vector.broadcast %broadcast_in_dim3A_364 : vector<1x512xi32> to vector<544x512xi32>
      %eq3A_366 = arith.cmpi eq, %concatenate3A_128, %eq3A_365 : vector<544x512xi32>
      %broadcast_in_dim3A_367 = vector.broadcast %while3A : f32 to vector<544x512xf32>
      %select_n3A_368 = arith.select %eq3A_366, %broadcast_in_dim3A_367, %select_n3A_353 : vector<544x512xi1>, vector<544x512xf32>
      %reduce_min3A_369 = arith.constant dense<0x7F800000> : vector<512xf32>
      %reduce_min3A_370 = vector.multi_reduction <minimumf>, %select_n3A_368, %reduce_min3A_369 [0] : vector<544x512xf32> to vector<512xf32>
      %broadcast_in_dim3A_371 = vector.shape_cast %reduce_min3A_370 : vector<512xf32> to vector<1x512xf32>
      %eq3A_372 = vector.broadcast %broadcast_in_dim3A_371 : vector<1x512xf32> to vector<544x512xf32>
      %eq3A_373 = arith.cmpf oeq, %select_n3A_368, %eq3A_372 : vector<544x512xf32>
      %jit3A_374 = arith.constant 1073741824 : i32
      %broadcast_in_dim3A_375 = vector.broadcast %jit3A_374 : i32 to vector<544x512xi32>
      %select_n3A_376 = arith.select %eq3A_373, %concatenate3A_128, %broadcast_in_dim3A_375 : vector<544x512xi1>, vector<544x512xi32>
      %reduce_min3A_377 = arith.constant dense<2147483647> : vector<512xi32>
      %reduce_min3A_378 = vector.multi_reduction <minsi>, %select_n3A_376, %reduce_min3A_377 [0] : vector<544x512xi32> to vector<512xi32>
      %broadcast_in_dim3A_379 = vector.shape_cast %reduce_min3A_378 : vector<512xi32> to vector<1x512xi32>
      %eq3A_380 = vector.broadcast %broadcast_in_dim3A_379 : vector<1x512xi32> to vector<544x512xi32>
      %eq3A_381 = arith.cmpi eq, %concatenate3A_128, %eq3A_380 : vector<544x512xi32>
      %broadcast_in_dim3A_382 = vector.broadcast %while3A : f32 to vector<544x512xf32>
      %select_n3A_383 = arith.select %eq3A_381, %broadcast_in_dim3A_382, %select_n3A_368 : vector<544x512xi1>, vector<544x512xf32>
      %reduce_min3A_384 = arith.constant dense<0x7F800000> : vector<512xf32>
      %reduce_min3A_385 = vector.multi_reduction <minimumf>, %select_n3A_383, %reduce_min3A_384 [0] : vector<544x512xf32> to vector<512xf32>
      %broadcast_in_dim3A_386 = vector.shape_cast %reduce_min3A_385 : vector<512xf32> to vector<1x512xf32>
      %eq3A_387 = vector.broadcast %broadcast_in_dim3A_386 : vector<1x512xf32> to vector<544x512xf32>
      %eq3A_388 = arith.cmpf oeq, %select_n3A_383, %eq3A_387 : vector<544x512xf32>
      %jit3A_389 = arith.constant 1073741824 : i32
      %broadcast_in_dim3A_390 = vector.broadcast %jit3A_389 : i32 to vector<544x512xi32>
      %select_n3A_391 = arith.select %eq3A_388, %concatenate3A_128, %broadcast_in_dim3A_390 : vector<544x512xi1>, vector<544x512xi32>
      %reduce_min3A_392 = arith.constant dense<2147483647> : vector<512xi32>
      %reduce_min3A_393 = vector.multi_reduction <minsi>, %select_n3A_391, %reduce_min3A_392 [0] : vector<544x512xi32> to vector<512xi32>
      %broadcast_in_dim3A_394 = vector.shape_cast %reduce_min3A_393 : vector<512xi32> to vector<1x512xi32>
      %eq3A_395 = vector.broadcast %broadcast_in_dim3A_394 : vector<1x512xi32> to vector<544x512xi32>
      %eq3A_396 = arith.cmpi eq, %concatenate3A_128, %eq3A_395 : vector<544x512xi32>
      %broadcast_in_dim3A_397 = vector.broadcast %while3A : f32 to vector<544x512xf32>
      %select_n3A_398 = arith.select %eq3A_396, %broadcast_in_dim3A_397, %select_n3A_383 : vector<544x512xi1>, vector<544x512xf32>
      %reduce_min3A_399 = arith.constant dense<0x7F800000> : vector<512xf32>
      %reduce_min3A_400 = vector.multi_reduction <minimumf>, %select_n3A_398, %reduce_min3A_399 [0] : vector<544x512xf32> to vector<512xf32>
      %broadcast_in_dim3A_401 = vector.shape_cast %reduce_min3A_400 : vector<512xf32> to vector<1x512xf32>
      %eq3A_402 = vector.broadcast %broadcast_in_dim3A_401 : vector<1x512xf32> to vector<544x512xf32>
      %eq3A_403 = arith.cmpf oeq, %select_n3A_398, %eq3A_402 : vector<544x512xf32>
      %jit3A_404 = arith.constant 1073741824 : i32
      %broadcast_in_dim3A_405 = vector.broadcast %jit3A_404 : i32 to vector<544x512xi32>
      %select_n3A_406 = arith.select %eq3A_403, %concatenate3A_128, %broadcast_in_dim3A_405 : vector<544x512xi1>, vector<544x512xi32>
      %reduce_min3A_407 = arith.constant dense<2147483647> : vector<512xi32>
      %reduce_min3A_408 = vector.multi_reduction <minsi>, %select_n3A_406, %reduce_min3A_407 [0] : vector<544x512xi32> to vector<512xi32>
      %broadcast_in_dim3A_409 = vector.shape_cast %reduce_min3A_408 : vector<512xi32> to vector<1x512xi32>
      %eq3A_410 = vector.broadcast %broadcast_in_dim3A_409 : vector<1x512xi32> to vector<544x512xi32>
      %eq3A_411 = arith.cmpi eq, %concatenate3A_128, %eq3A_410 : vector<544x512xi32>
      %broadcast_in_dim3A_412 = vector.broadcast %while3A : f32 to vector<544x512xf32>
      %select_n3A_413 = arith.select %eq3A_411, %broadcast_in_dim3A_412, %select_n3A_398 : vector<544x512xi1>, vector<544x512xf32>
      %reduce_min3A_414 = arith.constant dense<0x7F800000> : vector<512xf32>
      %reduce_min3A_415 = vector.multi_reduction <minimumf>, %select_n3A_413, %reduce_min3A_414 [0] : vector<544x512xf32> to vector<512xf32>
      %broadcast_in_dim3A_416 = vector.shape_cast %reduce_min3A_415 : vector<512xf32> to vector<1x512xf32>
      %eq3A_417 = vector.broadcast %broadcast_in_dim3A_416 : vector<1x512xf32> to vector<544x512xf32>
      %eq3A_418 = arith.cmpf oeq, %select_n3A_413, %eq3A_417 : vector<544x512xf32>
      %jit3A_419 = arith.constant 1073741824 : i32
      %broadcast_in_dim3A_420 = vector.broadcast %jit3A_419 : i32 to vector<544x512xi32>
      %select_n3A_421 = arith.select %eq3A_418, %concatenate3A_128, %broadcast_in_dim3A_420 : vector<544x512xi1>, vector<544x512xi32>
      %reduce_min3A_422 = arith.constant dense<2147483647> : vector<512xi32>
      %reduce_min3A_423 = vector.multi_reduction <minsi>, %select_n3A_421, %reduce_min3A_422 [0] : vector<544x512xi32> to vector<512xi32>
      %broadcast_in_dim3A_424 = vector.shape_cast %reduce_min3A_423 : vector<512xi32> to vector<1x512xi32>
      %eq3A_425 = vector.broadcast %broadcast_in_dim3A_424 : vector<1x512xi32> to vector<544x512xi32>
      %eq3A_426 = arith.cmpi eq, %concatenate3A_128, %eq3A_425 : vector<544x512xi32>
      %broadcast_in_dim3A_427 = vector.broadcast %while3A : f32 to vector<544x512xf32>
      %select_n3A_428 = arith.select %eq3A_426, %broadcast_in_dim3A_427, %select_n3A_413 : vector<544x512xi1>, vector<544x512xf32>
      %reduce_min3A_429 = arith.constant dense<0x7F800000> : vector<512xf32>
      %reduce_min3A_430 = vector.multi_reduction <minimumf>, %select_n3A_428, %reduce_min3A_429 [0] : vector<544x512xf32> to vector<512xf32>
      %broadcast_in_dim3A_431 = vector.shape_cast %reduce_min3A_430 : vector<512xf32> to vector<1x512xf32>
      %eq3A_432 = vector.broadcast %broadcast_in_dim3A_431 : vector<1x512xf32> to vector<544x512xf32>
      %eq3A_433 = arith.cmpf oeq, %select_n3A_428, %eq3A_432 : vector<544x512xf32>
      %jit3A_434 = arith.constant 1073741824 : i32
      %broadcast_in_dim3A_435 = vector.broadcast %jit3A_434 : i32 to vector<544x512xi32>
      %select_n3A_436 = arith.select %eq3A_433, %concatenate3A_128, %broadcast_in_dim3A_435 : vector<544x512xi1>, vector<544x512xi32>
      %reduce_min3A_437 = arith.constant dense<2147483647> : vector<512xi32>
      %reduce_min3A_438 = vector.multi_reduction <minsi>, %select_n3A_436, %reduce_min3A_437 [0] : vector<544x512xi32> to vector<512xi32>
      %broadcast_in_dim3A_439 = vector.shape_cast %reduce_min3A_438 : vector<512xi32> to vector<1x512xi32>
      %eq3A_440 = vector.broadcast %broadcast_in_dim3A_439 : vector<1x512xi32> to vector<544x512xi32>
      %eq3A_441 = arith.cmpi eq, %concatenate3A_128, %eq3A_440 : vector<544x512xi32>
      %broadcast_in_dim3A_442 = vector.broadcast %while3A : f32 to vector<544x512xf32>
      %select_n3A_443 = arith.select %eq3A_441, %broadcast_in_dim3A_442, %select_n3A_428 : vector<544x512xi1>, vector<544x512xf32>
      %reduce_min3A_444 = arith.constant dense<0x7F800000> : vector<512xf32>
      %reduce_min3A_445 = vector.multi_reduction <minimumf>, %select_n3A_443, %reduce_min3A_444 [0] : vector<544x512xf32> to vector<512xf32>
      %broadcast_in_dim3A_446 = vector.shape_cast %reduce_min3A_445 : vector<512xf32> to vector<1x512xf32>
      %eq3A_447 = vector.broadcast %broadcast_in_dim3A_446 : vector<1x512xf32> to vector<544x512xf32>
      %eq3A_448 = arith.cmpf oeq, %select_n3A_443, %eq3A_447 : vector<544x512xf32>
      %jit3A_449 = arith.constant 1073741824 : i32
      %broadcast_in_dim3A_450 = vector.broadcast %jit3A_449 : i32 to vector<544x512xi32>
      %select_n3A_451 = arith.select %eq3A_448, %concatenate3A_128, %broadcast_in_dim3A_450 : vector<544x512xi1>, vector<544x512xi32>
      %reduce_min3A_452 = arith.constant dense<2147483647> : vector<512xi32>
      %reduce_min3A_453 = vector.multi_reduction <minsi>, %select_n3A_451, %reduce_min3A_452 [0] : vector<544x512xi32> to vector<512xi32>
      %broadcast_in_dim3A_454 = vector.shape_cast %reduce_min3A_453 : vector<512xi32> to vector<1x512xi32>
      %eq3A_455 = vector.broadcast %broadcast_in_dim3A_454 : vector<1x512xi32> to vector<544x512xi32>
      %eq3A_456 = arith.cmpi eq, %concatenate3A_128, %eq3A_455 : vector<544x512xi32>
      %broadcast_in_dim3A_457 = vector.broadcast %while3A : f32 to vector<544x512xf32>
      %select_n3A_458 = arith.select %eq3A_456, %broadcast_in_dim3A_457, %select_n3A_443 : vector<544x512xi1>, vector<544x512xf32>
      %reduce_min3A_459 = arith.constant dense<0x7F800000> : vector<512xf32>
      %reduce_min3A_460 = vector.multi_reduction <minimumf>, %select_n3A_458, %reduce_min3A_459 [0] : vector<544x512xf32> to vector<512xf32>
      %broadcast_in_dim3A_461 = vector.shape_cast %reduce_min3A_460 : vector<512xf32> to vector<1x512xf32>
      %eq3A_462 = vector.broadcast %broadcast_in_dim3A_461 : vector<1x512xf32> to vector<544x512xf32>
      %eq3A_463 = arith.cmpf oeq, %select_n3A_458, %eq3A_462 : vector<544x512xf32>
      %jit3A_464 = arith.constant 1073741824 : i32
      %broadcast_in_dim3A_465 = vector.broadcast %jit3A_464 : i32 to vector<544x512xi32>
      %select_n3A_466 = arith.select %eq3A_463, %concatenate3A_128, %broadcast_in_dim3A_465 : vector<544x512xi1>, vector<544x512xi32>
      %reduce_min3A_467 = arith.constant dense<2147483647> : vector<512xi32>
      %reduce_min3A_468 = vector.multi_reduction <minsi>, %select_n3A_466, %reduce_min3A_467 [0] : vector<544x512xi32> to vector<512xi32>
      %broadcast_in_dim3A_469 = vector.shape_cast %reduce_min3A_468 : vector<512xi32> to vector<1x512xi32>
      %eq3A_470 = vector.broadcast %broadcast_in_dim3A_469 : vector<1x512xi32> to vector<544x512xi32>
      %eq3A_471 = arith.cmpi eq, %concatenate3A_128, %eq3A_470 : vector<544x512xi32>
      %broadcast_in_dim3A_472 = vector.broadcast %while3A : f32 to vector<544x512xf32>
      %select_n3A_473 = arith.select %eq3A_471, %broadcast_in_dim3A_472, %select_n3A_458 : vector<544x512xi1>, vector<544x512xf32>
      %reduce_min3A_474 = arith.constant dense<0x7F800000> : vector<512xf32>
      %reduce_min3A_475 = vector.multi_reduction <minimumf>, %select_n3A_473, %reduce_min3A_474 [0] : vector<544x512xf32> to vector<512xf32>
      %broadcast_in_dim3A_476 = vector.shape_cast %reduce_min3A_475 : vector<512xf32> to vector<1x512xf32>
      %eq3A_477 = vector.broadcast %broadcast_in_dim3A_476 : vector<1x512xf32> to vector<544x512xf32>
      %eq3A_478 = arith.cmpf oeq, %select_n3A_473, %eq3A_477 : vector<544x512xf32>
      %jit3A_479 = arith.constant 1073741824 : i32
      %broadcast_in_dim3A_480 = vector.broadcast %jit3A_479 : i32 to vector<544x512xi32>
      %select_n3A_481 = arith.select %eq3A_478, %concatenate3A_128, %broadcast_in_dim3A_480 : vector<544x512xi1>, vector<544x512xi32>
      %reduce_min3A_482 = arith.constant dense<2147483647> : vector<512xi32>
      %reduce_min3A_483 = vector.multi_reduction <minsi>, %select_n3A_481, %reduce_min3A_482 [0] : vector<544x512xi32> to vector<512xi32>
      %broadcast_in_dim3A_484 = vector.shape_cast %reduce_min3A_483 : vector<512xi32> to vector<1x512xi32>
      %eq3A_485 = vector.broadcast %broadcast_in_dim3A_484 : vector<1x512xi32> to vector<544x512xi32>
      %eq3A_486 = arith.cmpi eq, %concatenate3A_128, %eq3A_485 : vector<544x512xi32>
      %broadcast_in_dim3A_487 = vector.broadcast %while3A : f32 to vector<544x512xf32>
      %select_n3A_488 = arith.select %eq3A_486, %broadcast_in_dim3A_487, %select_n3A_473 : vector<544x512xi1>, vector<544x512xf32>
      %reduce_min3A_489 = arith.constant dense<0x7F800000> : vector<512xf32>
      %reduce_min3A_490 = vector.multi_reduction <minimumf>, %select_n3A_488, %reduce_min3A_489 [0] : vector<544x512xf32> to vector<512xf32>
      %broadcast_in_dim3A_491 = vector.shape_cast %reduce_min3A_490 : vector<512xf32> to vector<1x512xf32>
      %eq3A_492 = vector.broadcast %broadcast_in_dim3A_491 : vector<1x512xf32> to vector<544x512xf32>
      %eq3A_493 = arith.cmpf oeq, %select_n3A_488, %eq3A_492 : vector<544x512xf32>
      %jit3A_494 = arith.constant 1073741824 : i32
      %broadcast_in_dim3A_495 = vector.broadcast %jit3A_494 : i32 to vector<544x512xi32>
      %select_n3A_496 = arith.select %eq3A_493, %concatenate3A_128, %broadcast_in_dim3A_495 : vector<544x512xi1>, vector<544x512xi32>
      %reduce_min3A_497 = arith.constant dense<2147483647> : vector<512xi32>
      %reduce_min3A_498 = vector.multi_reduction <minsi>, %select_n3A_496, %reduce_min3A_497 [0] : vector<544x512xi32> to vector<512xi32>
      %broadcast_in_dim3A_499 = vector.shape_cast %reduce_min3A_498 : vector<512xi32> to vector<1x512xi32>
      %eq3A_500 = vector.broadcast %broadcast_in_dim3A_499 : vector<1x512xi32> to vector<544x512xi32>
      %eq3A_501 = arith.cmpi eq, %concatenate3A_128, %eq3A_500 : vector<544x512xi32>
      %broadcast_in_dim3A_502 = vector.broadcast %while3A : f32 to vector<544x512xf32>
      %select_n3A_503 = arith.select %eq3A_501, %broadcast_in_dim3A_502, %select_n3A_488 : vector<544x512xi1>, vector<544x512xf32>
      %reduce_min3A_504 = arith.constant dense<0x7F800000> : vector<512xf32>
      %reduce_min3A_505 = vector.multi_reduction <minimumf>, %select_n3A_503, %reduce_min3A_504 [0] : vector<544x512xf32> to vector<512xf32>
      %broadcast_in_dim3A_506 = vector.shape_cast %reduce_min3A_505 : vector<512xf32> to vector<1x512xf32>
      %eq3A_507 = vector.broadcast %broadcast_in_dim3A_506 : vector<1x512xf32> to vector<544x512xf32>
      %eq3A_508 = arith.cmpf oeq, %select_n3A_503, %eq3A_507 : vector<544x512xf32>
      %jit3A_509 = arith.constant 1073741824 : i32
      %broadcast_in_dim3A_510 = vector.broadcast %jit3A_509 : i32 to vector<544x512xi32>
      %select_n3A_511 = arith.select %eq3A_508, %concatenate3A_128, %broadcast_in_dim3A_510 : vector<544x512xi1>, vector<544x512xi32>
      %reduce_min3A_512 = arith.constant dense<2147483647> : vector<512xi32>
      %reduce_min3A_513 = vector.multi_reduction <minsi>, %select_n3A_511, %reduce_min3A_512 [0] : vector<544x512xi32> to vector<512xi32>
      %broadcast_in_dim3A_514 = vector.shape_cast %reduce_min3A_513 : vector<512xi32> to vector<1x512xi32>
      %eq3A_515 = vector.broadcast %broadcast_in_dim3A_514 : vector<1x512xi32> to vector<544x512xi32>
      %eq3A_516 = arith.cmpi eq, %concatenate3A_128, %eq3A_515 : vector<544x512xi32>
      %broadcast_in_dim3A_517 = vector.broadcast %while3A : f32 to vector<544x512xf32>
      %select_n3A_518 = arith.select %eq3A_516, %broadcast_in_dim3A_517, %select_n3A_503 : vector<544x512xi1>, vector<544x512xf32>
      %reduce_min3A_519 = arith.constant dense<0x7F800000> : vector<512xf32>
      %reduce_min3A_520 = vector.multi_reduction <minimumf>, %select_n3A_518, %reduce_min3A_519 [0] : vector<544x512xf32> to vector<512xf32>
      %broadcast_in_dim3A_521 = vector.shape_cast %reduce_min3A_520 : vector<512xf32> to vector<1x512xf32>
      %eq3A_522 = vector.broadcast %broadcast_in_dim3A_521 : vector<1x512xf32> to vector<544x512xf32>
      %eq3A_523 = arith.cmpf oeq, %select_n3A_518, %eq3A_522 : vector<544x512xf32>
      %jit3A_524 = arith.constant 1073741824 : i32
      %broadcast_in_dim3A_525 = vector.broadcast %jit3A_524 : i32 to vector<544x512xi32>
      %select_n3A_526 = arith.select %eq3A_523, %concatenate3A_128, %broadcast_in_dim3A_525 : vector<544x512xi1>, vector<544x512xi32>
      %reduce_min3A_527 = arith.constant dense<2147483647> : vector<512xi32>
      %reduce_min3A_528 = vector.multi_reduction <minsi>, %select_n3A_526, %reduce_min3A_527 [0] : vector<544x512xi32> to vector<512xi32>
      %broadcast_in_dim3A_529 = vector.shape_cast %reduce_min3A_528 : vector<512xi32> to vector<1x512xi32>
      %eq3A_530 = vector.broadcast %broadcast_in_dim3A_529 : vector<1x512xi32> to vector<544x512xi32>
      %eq3A_531 = arith.cmpi eq, %concatenate3A_128, %eq3A_530 : vector<544x512xi32>
      %broadcast_in_dim3A_532 = vector.broadcast %while3A : f32 to vector<544x512xf32>
      %select_n3A_533 = arith.select %eq3A_531, %broadcast_in_dim3A_532, %select_n3A_518 : vector<544x512xi1>, vector<544x512xf32>
      %reduce_min3A_534 = arith.constant dense<0x7F800000> : vector<512xf32>
      %reduce_min3A_535 = vector.multi_reduction <minimumf>, %select_n3A_533, %reduce_min3A_534 [0] : vector<544x512xf32> to vector<512xf32>
      %broadcast_in_dim3A_536 = vector.shape_cast %reduce_min3A_535 : vector<512xf32> to vector<1x512xf32>
      %eq3A_537 = vector.broadcast %broadcast_in_dim3A_536 : vector<1x512xf32> to vector<544x512xf32>
      %eq3A_538 = arith.cmpf oeq, %select_n3A_533, %eq3A_537 : vector<544x512xf32>
      %jit3A_539 = arith.constant 1073741824 : i32
      %broadcast_in_dim3A_540 = vector.broadcast %jit3A_539 : i32 to vector<544x512xi32>
      %select_n3A_541 = arith.select %eq3A_538, %concatenate3A_128, %broadcast_in_dim3A_540 : vector<544x512xi1>, vector<544x512xi32>
      %reduce_min3A_542 = arith.constant dense<2147483647> : vector<512xi32>
      %reduce_min3A_543 = vector.multi_reduction <minsi>, %select_n3A_541, %reduce_min3A_542 [0] : vector<544x512xi32> to vector<512xi32>
      %broadcast_in_dim3A_544 = vector.shape_cast %reduce_min3A_543 : vector<512xi32> to vector<1x512xi32>
      %eq3A_545 = vector.broadcast %broadcast_in_dim3A_544 : vector<1x512xi32> to vector<544x512xi32>
      %eq3A_546 = arith.cmpi eq, %concatenate3A_128, %eq3A_545 : vector<544x512xi32>
      %broadcast_in_dim3A_547 = vector.broadcast %while3A : f32 to vector<544x512xf32>
      %select_n3A_548 = arith.select %eq3A_546, %broadcast_in_dim3A_547, %select_n3A_533 : vector<544x512xi1>, vector<544x512xf32>
      %reduce_min3A_549 = arith.constant dense<0x7F800000> : vector<512xf32>
      %reduce_min3A_550 = vector.multi_reduction <minimumf>, %select_n3A_548, %reduce_min3A_549 [0] : vector<544x512xf32> to vector<512xf32>
      %broadcast_in_dim3A_551 = vector.shape_cast %reduce_min3A_550 : vector<512xf32> to vector<1x512xf32>
      %eq3A_552 = vector.broadcast %broadcast_in_dim3A_551 : vector<1x512xf32> to vector<544x512xf32>
      %eq3A_553 = arith.cmpf oeq, %select_n3A_548, %eq3A_552 : vector<544x512xf32>
      %jit3A_554 = arith.constant 1073741824 : i32
      %broadcast_in_dim3A_555 = vector.broadcast %jit3A_554 : i32 to vector<544x512xi32>
      %select_n3A_556 = arith.select %eq3A_553, %concatenate3A_128, %broadcast_in_dim3A_555 : vector<544x512xi1>, vector<544x512xi32>
      %reduce_min3A_557 = arith.constant dense<2147483647> : vector<512xi32>
      %reduce_min3A_558 = vector.multi_reduction <minsi>, %select_n3A_556, %reduce_min3A_557 [0] : vector<544x512xi32> to vector<512xi32>
      %broadcast_in_dim3A_559 = vector.shape_cast %reduce_min3A_558 : vector<512xi32> to vector<1x512xi32>
      %eq3A_560 = vector.broadcast %broadcast_in_dim3A_559 : vector<1x512xi32> to vector<544x512xi32>
      %eq3A_561 = arith.cmpi eq, %concatenate3A_128, %eq3A_560 : vector<544x512xi32>
      %broadcast_in_dim3A_562 = vector.broadcast %while3A : f32 to vector<544x512xf32>
      %select_n3A_563 = arith.select %eq3A_561, %broadcast_in_dim3A_562, %select_n3A_548 : vector<544x512xi1>, vector<544x512xf32>
      %reduce_min3A_564 = arith.constant dense<0x7F800000> : vector<512xf32>
      %reduce_min3A_565 = vector.multi_reduction <minimumf>, %select_n3A_563, %reduce_min3A_564 [0] : vector<544x512xf32> to vector<512xf32>
      %broadcast_in_dim3A_566 = vector.shape_cast %reduce_min3A_565 : vector<512xf32> to vector<1x512xf32>
      %eq3A_567 = vector.broadcast %broadcast_in_dim3A_566 : vector<1x512xf32> to vector<544x512xf32>
      %eq3A_568 = arith.cmpf oeq, %select_n3A_563, %eq3A_567 : vector<544x512xf32>
      %jit3A_569 = arith.constant 1073741824 : i32
      %broadcast_in_dim3A_570 = vector.broadcast %jit3A_569 : i32 to vector<544x512xi32>
      %select_n3A_571 = arith.select %eq3A_568, %concatenate3A_128, %broadcast_in_dim3A_570 : vector<544x512xi1>, vector<544x512xi32>
      %reduce_min3A_572 = arith.constant dense<2147483647> : vector<512xi32>
      %reduce_min3A_573 = vector.multi_reduction <minsi>, %select_n3A_571, %reduce_min3A_572 [0] : vector<544x512xi32> to vector<512xi32>
      %broadcast_in_dim3A_574 = vector.shape_cast %reduce_min3A_573 : vector<512xi32> to vector<1x512xi32>
      %eq3A_575 = vector.broadcast %broadcast_in_dim3A_574 : vector<1x512xi32> to vector<544x512xi32>
      %eq3A_576 = arith.cmpi eq, %concatenate3A_128, %eq3A_575 : vector<544x512xi32>
      %broadcast_in_dim3A_577 = vector.broadcast %while3A : f32 to vector<544x512xf32>
      %select_n3A_578 = arith.select %eq3A_576, %broadcast_in_dim3A_577, %select_n3A_563 : vector<544x512xi1>, vector<544x512xf32>
      %reduce_min3A_579 = arith.constant dense<0x7F800000> : vector<512xf32>
      %reduce_min3A_580 = vector.multi_reduction <minimumf>, %select_n3A_578, %reduce_min3A_579 [0] : vector<544x512xf32> to vector<512xf32>
      %broadcast_in_dim3A_581 = vector.shape_cast %reduce_min3A_580 : vector<512xf32> to vector<1x512xf32>
      %eq3A_582 = vector.broadcast %broadcast_in_dim3A_581 : vector<1x512xf32> to vector<544x512xf32>
      %eq3A_583 = arith.cmpf oeq, %select_n3A_578, %eq3A_582 : vector<544x512xf32>
      %jit3A_584 = arith.constant 1073741824 : i32
      %broadcast_in_dim3A_585 = vector.broadcast %jit3A_584 : i32 to vector<544x512xi32>
      %select_n3A_586 = arith.select %eq3A_583, %concatenate3A_128, %broadcast_in_dim3A_585 : vector<544x512xi1>, vector<544x512xi32>
      %reduce_min3A_587 = arith.constant dense<2147483647> : vector<512xi32>
      %reduce_min3A_588 = vector.multi_reduction <minsi>, %select_n3A_586, %reduce_min3A_587 [0] : vector<544x512xi32> to vector<512xi32>
      %broadcast_in_dim3A_589 = vector.shape_cast %reduce_min3A_588 : vector<512xi32> to vector<1x512xi32>
      %eq3A_590 = vector.broadcast %broadcast_in_dim3A_589 : vector<1x512xi32> to vector<544x512xi32>
      %eq3A_591 = arith.cmpi eq, %concatenate3A_128, %eq3A_590 : vector<544x512xi32>
      %broadcast_in_dim3A_592 = vector.broadcast %while3A : f32 to vector<544x512xf32>
      %select_n3A_593 = arith.select %eq3A_591, %broadcast_in_dim3A_592, %select_n3A_578 : vector<544x512xi1>, vector<544x512xf32>
      %reduce_min3A_594 = arith.constant dense<0x7F800000> : vector<512xf32>
      %reduce_min3A_595 = vector.multi_reduction <minimumf>, %select_n3A_593, %reduce_min3A_594 [0] : vector<544x512xf32> to vector<512xf32>
      %broadcast_in_dim3A_596 = vector.shape_cast %reduce_min3A_595 : vector<512xf32> to vector<1x512xf32>
      %eq3A_597 = vector.broadcast %broadcast_in_dim3A_596 : vector<1x512xf32> to vector<544x512xf32>
      %eq3A_598 = arith.cmpf oeq, %select_n3A_593, %eq3A_597 : vector<544x512xf32>
      %jit3A_599 = arith.constant 1073741824 : i32
      %broadcast_in_dim3A_600 = vector.broadcast %jit3A_599 : i32 to vector<544x512xi32>
      %select_n3A_601 = arith.select %eq3A_598, %concatenate3A_128, %broadcast_in_dim3A_600 : vector<544x512xi1>, vector<544x512xi32>
      %reduce_min3A_602 = arith.constant dense<2147483647> : vector<512xi32>
      %reduce_min3A_603 = vector.multi_reduction <minsi>, %select_n3A_601, %reduce_min3A_602 [0] : vector<544x512xi32> to vector<512xi32>
      %broadcast_in_dim3A_604 = vector.shape_cast %reduce_min3A_603 : vector<512xi32> to vector<1x512xi32>
      %eq3A_605 = vector.broadcast %broadcast_in_dim3A_604 : vector<1x512xi32> to vector<544x512xi32>
      %eq3A_606 = arith.cmpi eq, %concatenate3A_128, %eq3A_605 : vector<544x512xi32>
      %broadcast_in_dim3A_607 = vector.broadcast %while3A : f32 to vector<544x512xf32>
      %select_n3A_608 = arith.select %eq3A_606, %broadcast_in_dim3A_607, %select_n3A_593 : vector<544x512xi1>, vector<544x512xf32>
      %concatenate3A_609 = tpu.concatenate %broadcast_in_dim3A_131, %broadcast_in_dim3A_146, %broadcast_in_dim3A_161, %broadcast_in_dim3A_176, %broadcast_in_dim3A_191, %broadcast_in_dim3A_206, %broadcast_in_dim3A_221, %broadcast_in_dim3A_236, %broadcast_in_dim3A_251, %broadcast_in_dim3A_266, %broadcast_in_dim3A_281, %broadcast_in_dim3A_296, %broadcast_in_dim3A_311, %broadcast_in_dim3A_326, %broadcast_in_dim3A_341, %broadcast_in_dim3A_356, %broadcast_in_dim3A_371, %broadcast_in_dim3A_386, %broadcast_in_dim3A_401, %broadcast_in_dim3A_416, %broadcast_in_dim3A_431, %broadcast_in_dim3A_446, %broadcast_in_dim3A_461, %broadcast_in_dim3A_476, %broadcast_in_dim3A_491, %broadcast_in_dim3A_506, %broadcast_in_dim3A_521, %broadcast_in_dim3A_536, %broadcast_in_dim3A_551, %broadcast_in_dim3A_566, %broadcast_in_dim3A_581, %broadcast_in_dim3A_596 in 0 : vector<1x512xf32>, vector<1x512xf32>, vector<1x512xf32>, vector<1x512xf32>, vector<1x512xf32>, vector<1x512xf32>, vector<1x512xf32>, vector<1x512xf32>, vector<1x512xf32>, vector<1x512xf32>, vector<1x512xf32>, vector<1x512xf32>, vector<1x512xf32>, vector<1x512xf32>, vector<1x512xf32>, vector<1x512xf32>, vector<1x512xf32>, vector<1x512xf32>, vector<1x512xf32>, vector<1x512xf32>, vector<1x512xf32>, vector<1x512xf32>, vector<1x512xf32>, vector<1x512xf32>, vector<1x512xf32>, vector<1x512xf32>, vector<1x512xf32>, vector<1x512xf32>, vector<1x512xf32>, vector<1x512xf32>, vector<1x512xf32>, vector<1x512xf32> -> vector<32x512xf32>
      %concatenate3A_610 = tpu.concatenate %broadcast_in_dim3A_139, %broadcast_in_dim3A_154, %broadcast_in_dim3A_169, %broadcast_in_dim3A_184, %broadcast_in_dim3A_199, %broadcast_in_dim3A_214, %broadcast_in_dim3A_229, %broadcast_in_dim3A_244, %broadcast_in_dim3A_259, %broadcast_in_dim3A_274, %broadcast_in_dim3A_289, %broadcast_in_dim3A_304, %broadcast_in_dim3A_319, %broadcast_in_dim3A_334, %broadcast_in_dim3A_349, %broadcast_in_dim3A_364, %broadcast_in_dim3A_379, %broadcast_in_dim3A_394, %broadcast_in_dim3A_409, %broadcast_in_dim3A_424, %broadcast_in_dim3A_439, %broadcast_in_dim3A_454, %broadcast_in_dim3A_469, %broadcast_in_dim3A_484, %broadcast_in_dim3A_499, %broadcast_in_dim3A_514, %broadcast_in_dim3A_529, %broadcast_in_dim3A_544, %broadcast_in_dim3A_559, %broadcast_in_dim3A_574, %broadcast_in_dim3A_589, %broadcast_in_dim3A_604 in 0 : vector<1x512xi32>, vector<1x512xi32>, vector<1x512xi32>, vector<1x512xi32>, vector<1x512xi32>, vector<1x512xi32>, vector<1x512xi32>, vector<1x512xi32>, vector<1x512xi32>, vector<1x512xi32>, vector<1x512xi32>, vector<1x512xi32>, vector<1x512xi32>, vector<1x512xi32>, vector<1x512xi32>, vector<1x512xi32>, vector<1x512xi32>, vector<1x512xi32>, vector<1x512xi32>, vector<1x512xi32>, vector<1x512xi32>, vector<1x512xi32>, vector<1x512xi32>, vector<1x512xi32>, vector<1x512xi32>, vector<1x512xi32>, vector<1x512xi32>, vector<1x512xi32>, vector<1x512xi32>, vector<1x512xi32>, vector<1x512xi32>, vector<1x512xi32> -> vector<32x512xi32>
      scf.yield %concatenate3A_609, %concatenate3A_610 : vector<32x512xf32>, vector<32x512xi32>
    }
    %swap3A = arith.constant 0 : index
    %swap3A_90 = arith.constant 0 : index
    %swap3A_91 = vector.load %arg6[%swap3A, %swap3A_90] : memref<32x512xi32, #tpu.memory_space<vmem>>, vector<32x512xi32>
    tpu.vector_store %arg6[%swap3A, %swap3A_90], %while3A_89#1 {strides = array<i32>} : memref<32x512xi32, #tpu.memory_space<vmem>>, vector<32x512xi32>,
    return
  }
  func.func @transform_0(%arg0: i32) -> (i32, i32) {
    %c0_i32 = arith.constant 0 : i32
    %c0_i32_0 = arith.constant 0 : i32
    return %c0_i32, %arg0 : i32, i32
  }
  func.func @transform_1(%arg0: i32) -> (i32, i32) {
    %c0_i32 = arith.constant 0 : i32
    %c0_i32_0 = arith.constant 0 : i32
    return %c0_i32, %arg0 : i32, i32
  }
  func.func @transform_2(%arg0: i32) -> (i32, i32) {
    %c0_i32 = arith.constant 0 : i32
    %c0_i32_0 = arith.constant 0 : i32
    %c0_i32_1 = arith.constant 0 : i32
    return %c0_i32, %c0_i32_0 : i32, i32
  }
  func.func @transform_3(%arg0: i32) -> (i32, i32) {
    %c0_i32 = arith.constant 0 : i32
    %c0_i32_0 = arith.constant 0 : i32
    %c0_i32_1 = arith.constant 0 : i32
    return %c0_i32, %c0_i32_0 : i32, i32
  }
  func.func @transform_4(%arg0: i32) -> (i32, i32) {
    %c0_i32 = arith.constant 0 : i32
    %c0_i32_0 = arith.constant 0 : i32
    %c0_i32_1 = arith.constant 0 : i32
    return %c0_i32, %c0_i32_0 : i32, i32
  }
  func.func @transform_5(%arg0: i32) -> (i32, i32) {
    %c0_i32 = arith.constant 0 : i32
    %c0_i32_0 = arith.constant 0 : i32
    return %c0_i32, %arg0 : i32, i32
  }
}

module attributes {stable_mosaic.version = 14 : i64} {
  func.func @_uz_body(%arg0: i32, %arg1: memref<400x3xf32, #tpu.memory_space<vmem>>, %arg2: memref<400x128xf32, #tpu.memory_space<vmem>>, %arg3: memref<3x128xf32, #tpu.memory_space<vmem>>, %arg4: memref<128x128xf32, #tpu.memory_space<vmem>>, %arg5: memref<1x128xf32, #tpu.memory_space<vmem>>, %arg6: memref<400x128xf32, #tpu.memory_space<vmem>>, %arg7: memref<400x128xf32, #tpu.memory_space<vmem>>) attributes {dimension_semantics = [#tpu.dimension_semantics<arbitrary>], iteration_bounds = array<i64: 25>, scalar_prefetch = 0 : i64, scratch_operands = 0 : i64, tpu.core_type = #tpu.core_type<tc>, window_params = [{transform_indices = @transform_0, window_bounds = array<i64: 400, 3>}, {transform_indices = @transform_1, window_bounds = array<i64: 400, 128>}, {pipeline_mode = #tpu.pipeline_mode<synchronous>, transform_indices = @transform_2, window_bounds = array<i64: 3, 128>}, {pipeline_mode = #tpu.pipeline_mode<synchronous>, transform_indices = @transform_3, window_bounds = array<i64: 128, 128>}, {pipeline_mode = #tpu.pipeline_mode<synchronous>, transform_indices = @transform_4, window_bounds = array<i64: 1, 128>}, {transform_indices = @transform_5, window_bounds = array<i64: 400, 128>}, {transform_indices = @transform_6, window_bounds = array<i64: 400, 128>}]} {
    %get3A = arith.constant 0 : index
    %get3A_0 = arith.constant 0 : index
    %get3A_1 = vector.load %arg1[%get3A, %get3A_0] : memref<400x3xf32, #tpu.memory_space<vmem>>, vector<400x3xf32>
    %get3A_2 = arith.constant 0 : index
    %get3A_3 = arith.constant 0 : index
    %get3A_4 = vector.load %arg3[%get3A_2, %get3A_3] : memref<3x128xf32, #tpu.memory_space<vmem>>, vector<3x128xf32>
    %slice3A = vector.extract_strided_slice %get3A_1 {offsets = [0, 0], sizes = [400, 1], strides = [1, 1]} : vector<400x3xf32> to vector<400x1xf32>
    %slice3A_5 = vector.extract_strided_slice %get3A_4 {offsets = [0, 0], sizes = [1, 128], strides = [1, 1]} : vector<3x128xf32> to vector<1x128xf32>
    %mul3A = vector.broadcast %slice3A : vector<400x1xf32> to vector<400x128xf32>
    %mul3A_6 = vector.broadcast %slice3A_5 : vector<1x128xf32> to vector<400x128xf32>
    %mul3A_7 = arith.mulf %mul3A, %mul3A_6 : vector<400x128xf32>
    %slice3A_8 = vector.extract_strided_slice %get3A_1 {offsets = [0, 1], sizes = [400, 1], strides = [1, 1]} : vector<400x3xf32> to vector<400x1xf32>
    %slice3A_9 = vector.extract_strided_slice %get3A_4 {offsets = [1, 0], sizes = [1, 128], strides = [1, 1]} : vector<3x128xf32> to vector<1x128xf32>
    %mul3A_10 = vector.broadcast %slice3A_8 : vector<400x1xf32> to vector<400x128xf32>
    %mul3A_11 = vector.broadcast %slice3A_9 : vector<1x128xf32> to vector<400x128xf32>
    %mul3A_12 = arith.mulf %mul3A_10, %mul3A_11 : vector<400x128xf32>
    %add3A = arith.addf %mul3A_7, %mul3A_12 : vector<400x128xf32>
    %slice3A_13 = vector.extract_strided_slice %get3A_1 {offsets = [0, 2], sizes = [400, 1], strides = [1, 1]} : vector<400x3xf32> to vector<400x1xf32>
    %slice3A_14 = vector.extract_strided_slice %get3A_4 {offsets = [2, 0], sizes = [1, 128], strides = [1, 1]} : vector<3x128xf32> to vector<1x128xf32>
    %mul3A_15 = vector.broadcast %slice3A_13 : vector<400x1xf32> to vector<400x128xf32>
    %mul3A_16 = vector.broadcast %slice3A_14 : vector<1x128xf32> to vector<400x128xf32>
    %mul3A_17 = arith.mulf %mul3A_15, %mul3A_16 : vector<400x128xf32>
    %add3A_18 = arith.addf %add3A, %mul3A_17 : vector<400x128xf32>
    %get3A_19 = arith.constant 0 : index
    %get3A_20 = arith.constant 0 : index
    %get3A_21 = vector.load %arg2[%get3A_19, %get3A_20] : memref<400x128xf32, #tpu.memory_space<vmem>>, vector<400x128xf32>
    %get3A_22 = arith.constant 0 : index
    %get3A_23 = arith.constant 0 : index
    %get3A_24 = vector.load %arg4[%get3A_22, %get3A_23] : memref<128x128xf32, #tpu.memory_space<vmem>>, vector<128x128xf32>
    %dot_general3A = arith.constant dense<0.000000e+00> : vector<400x128xf32>
    %dot_general3A_25 = tpu.matmul %get3A_21, %get3A_24, %dot_general3A {dimension_numbers = #tpu.dot_dimension_numbers<[1], [0], [0], [1], [0, 0, 1, 1], [], []>, transpose_lhs_hint = false} : vector<400x128xf32>, vector<128x128xf32>, vector<400x128xf32> -> vector<400x128xf32>
    %add3A_26 = arith.addf %add3A_18, %dot_general3A_25 : vector<400x128xf32>
    %swap3A = arith.constant 0 : index
    %swap3A_27 = arith.constant 0 : index
    %swap3A_28 = vector.load %arg6[%swap3A, %swap3A_27] : memref<400x128xf32, #tpu.memory_space<vmem>>, vector<400x128xf32>
    tpu.vector_store %arg6[%swap3A, %swap3A_27], %add3A_26 {strides = array<i32>} : memref<400x128xf32, #tpu.memory_space<vmem>>, vector<400x128xf32>,
    %get3A_29 = arith.constant 0 : index
    %get3A_30 = arith.constant 0 : index
    %get3A_31 = vector.load %arg5[%get3A_29, %get3A_30] : memref<1x128xf32, #tpu.memory_space<vmem>>, vector<1x128xf32>
    %sub3A = vector.broadcast %get3A_31 : vector<1x128xf32> to vector<400x128xf32>
    %sub3A_32 = arith.subf %add3A_18, %sub3A : vector<400x128xf32>
    %swap3A_33 = arith.constant 0 : index
    %swap3A_34 = arith.constant 0 : index
    %swap3A_35 = vector.load %arg7[%swap3A_33, %swap3A_34] : memref<400x128xf32, #tpu.memory_space<vmem>>, vector<400x128xf32>
    tpu.vector_store %arg7[%swap3A_33, %swap3A_34], %sub3A_32 {strides = array<i32>} : memref<400x128xf32, #tpu.memory_space<vmem>>, vector<400x128xf32>,
    return
  }
  func.func @transform_0(%arg0: i32) -> (i32, i32) {
    %c0_i32 = arith.constant 0 : i32
    %c0_i32_0 = arith.constant 0 : i32
    return %arg0, %c0_i32 : i32, i32
  }
  func.func @transform_1(%arg0: i32) -> (i32, i32) {
    %c0_i32 = arith.constant 0 : i32
    %c0_i32_0 = arith.constant 0 : i32
    return %arg0, %c0_i32 : i32, i32
  }
  func.func @transform_2(%arg0: i32) -> (i32, i32) {
    %c0_i32 = arith.constant 0 : i32
    %c0_i32_0 = arith.constant 0 : i32
    %c0_i32_1 = arith.constant 0 : i32
    return %c0_i32, %c0_i32_0 : i32, i32
  }
  func.func @transform_3(%arg0: i32) -> (i32, i32) {
    %c0_i32 = arith.constant 0 : i32
    %c0_i32_0 = arith.constant 0 : i32
    %c0_i32_1 = arith.constant 0 : i32
    return %c0_i32, %c0_i32_0 : i32, i32
  }
  func.func @transform_4(%arg0: i32) -> (i32, i32) {
    %c0_i32 = arith.constant 0 : i32
    %c0_i32_0 = arith.constant 0 : i32
    %c0_i32_1 = arith.constant 0 : i32
    return %c0_i32, %c0_i32_0 : i32, i32
  }
  func.func @transform_5(%arg0: i32) -> (i32, i32) {
    %c0_i32 = arith.constant 0 : i32
    %c0_i32_0 = arith.constant 0 : i32
    return %arg0, %c0_i32 : i32, i32
  }
  func.func @transform_6(%arg0: i32) -> (i32, i32) {
    %c0_i32 = arith.constant 0 : i32
    %c0_i32_0 = arith.constant 0 : i32
    return %arg0, %c0_i32 : i32, i32
  }
}

module attributes {stable_mosaic.version = 14 : i64} {
  func.func @_stats1_body(%arg0: i32, %arg1: memref<400x32x128xf32, #tpu.memory_space<vmem>>, %arg2: memref<400x128xf32, #tpu.memory_space<vmem>>, %arg3: memref<1x128xf32, #tpu.memory_space<vmem>>, %arg4: memref<1x128xf32, #tpu.memory_space<vmem>>) attributes {dimension_semantics = [#tpu.dimension_semantics<arbitrary>], iteration_bounds = array<i64: 25>, scalar_prefetch = 0 : i64, scratch_operands = 0 : i64, tpu.core_type = #tpu.core_type<tc>, window_params = [{transform_indices = @transform_0, window_bounds = array<i64: 400, 32, 128>}, {transform_indices = @transform_1, window_bounds = array<i64: 400, 128>}, {pipeline_mode = #tpu.pipeline_mode<synchronous>, transform_indices = @transform_2, window_bounds = array<i64: 1, 128>}, {pipeline_mode = #tpu.pipeline_mode<synchronous>, transform_indices = @transform_3, window_bounds = array<i64: 1, 128>}]} {
    %get3A = arith.constant 0 : index
    %get3A_0 = arith.constant 0 : index
    %get3A_1 = arith.constant 0 : index
    %get3A_2 = vector.load %arg1[%get3A, %get3A_0, %get3A_1] : memref<400x32x128xf32, #tpu.memory_space<vmem>>, vector<400x32x128xf32>
    %get3A_3 = arith.constant 0 : index
    %get3A_4 = arith.constant 0 : index
    %get3A_5 = vector.load %arg2[%get3A_3, %get3A_4] : memref<400x128xf32, #tpu.memory_space<vmem>>, vector<400x128xf32>
    %broadcast_in_dim3A = vector.shape_cast %get3A_5 : vector<400x128xf32> to vector<400x1x128xf32>
    %sub3A = vector.broadcast %broadcast_in_dim3A : vector<400x1x128xf32> to vector<400x32x128xf32>
    %sub3A_6 = arith.subf %get3A_2, %sub3A : vector<400x32x128xf32>
    %reshape3A = vector.shape_cast %sub3A_6 : vector<400x32x128xf32> to vector<12800x128xf32>
    %eq3A = arith.constant 0 : i32
    %eq3A_7 = arith.cmpi eq, %arg0, %eq3A : i32
    %convert_element_type3A = arith.extui %eq3A_7 : i1 to i32
    %cond3A = arith.constant 0 : i32
    %cond3A_8 = arith.cmpi ne, %convert_element_type3A, %cond3A : i32
    scf.if %cond3A_8 {
      %broadcast_in_dim3A_26 = arith.constant 0.000000e+00 : f32
      %broadcast_in_dim3A_27 = vector.broadcast %broadcast_in_dim3A_26 : f32 to vector<1x128xf32>
      %swap3A_28 = arith.constant 0 : index
      %swap3A_29 = arith.constant 0 : index
      %swap3A_30 = vector.load %arg3[%swap3A_28, %swap3A_29] : memref<1x128xf32, #tpu.memory_space<vmem>>, vector<1x128xf32>
      tpu.vector_store %arg3[%swap3A_28, %swap3A_29], %broadcast_in_dim3A_27 {strides = array<i32>} : memref<1x128xf32, #tpu.memory_space<vmem>>, vector<1x128xf32>,
      %broadcast_in_dim3A_31 = arith.constant 0.000000e+00 : f32
      %broadcast_in_dim3A_32 = vector.broadcast %broadcast_in_dim3A_31 : f32 to vector<1x128xf32>
      %swap3A_33 = arith.constant 0 : index
      %swap3A_34 = arith.constant 0 : index
      %swap3A_35 = vector.load %arg4[%swap3A_33, %swap3A_34] : memref<1x128xf32, #tpu.memory_space<vmem>>, vector<1x128xf32>
      tpu.vector_store %arg4[%swap3A_33, %swap3A_34], %broadcast_in_dim3A_32 {strides = array<i32>} : memref<1x128xf32, #tpu.memory_space<vmem>>, vector<1x128xf32>,
    } else {
    }
    %get3A_9 = arith.constant 0 : index
    %get3A_10 = arith.constant 0 : index
    %get3A_11 = vector.load %arg3[%get3A_9, %get3A_10] : memref<1x128xf32, #tpu.memory_space<vmem>>, vector<1x128xf32>
    %reduce_sum3A = arith.constant dense<0.000000e+00> : vector<128xf32>
    %reduce_sum3A_12 = vector.multi_reduction <add>, %reshape3A, %reduce_sum3A [0] : vector<12800x128xf32> to vector<128xf32>
    %broadcast_in_dim3A_13 = vector.shape_cast %reduce_sum3A_12 : vector<128xf32> to vector<1x128xf32>
    %add3A = arith.addf %get3A_11, %broadcast_in_dim3A_13 : vector<1x128xf32>
    %swap3A = arith.constant 0 : index
    %swap3A_14 = arith.constant 0 : index
    %swap3A_15 = vector.load %arg3[%swap3A, %swap3A_14] : memref<1x128xf32, #tpu.memory_space<vmem>>, vector<1x128xf32>
    tpu.vector_store %arg3[%swap3A, %swap3A_14], %add3A {strides = array<i32>} : memref<1x128xf32, #tpu.memory_space<vmem>>, vector<1x128xf32>,
    %get3A_16 = arith.constant 0 : index
    %get3A_17 = arith.constant 0 : index
    %get3A_18 = vector.load %arg4[%get3A_16, %get3A_17] : memref<1x128xf32, #tpu.memory_space<vmem>>, vector<1x128xf32>
    %mul3A = arith.mulf %reshape3A, %reshape3A : vector<12800x128xf32>
    %reduce_sum3A_19 = arith.constant dense<0.000000e+00> : vector<128xf32>
    %reduce_sum3A_20 = vector.multi_reduction <add>, %mul3A, %reduce_sum3A_19 [0] : vector<12800x128xf32> to vector<128xf32>
    %broadcast_in_dim3A_21 = vector.shape_cast %reduce_sum3A_20 : vector<128xf32> to vector<1x128xf32>
    %add3A_22 = arith.addf %get3A_18, %broadcast_in_dim3A_21 : vector<1x128xf32>
    %swap3A_23 = arith.constant 0 : index
    %swap3A_24 = arith.constant 0 : index
    %swap3A_25 = vector.load %arg4[%swap3A_23, %swap3A_24] : memref<1x128xf32, #tpu.memory_space<vmem>>, vector<1x128xf32>
    tpu.vector_store %arg4[%swap3A_23, %swap3A_24], %add3A_22 {strides = array<i32>} : memref<1x128xf32, #tpu.memory_space<vmem>>, vector<1x128xf32>,
    return
  }
  func.func @transform_0(%arg0: i32) -> (i32, i32, i32) {
    %c0_i32 = arith.constant 0 : i32
    %c0_i32_0 = arith.constant 0 : i32
    %c0_i32_1 = arith.constant 0 : i32
    return %arg0, %c0_i32, %c0_i32_0 : i32, i32, i32
  }
  func.func @transform_1(%arg0: i32) -> (i32, i32) {
    %c0_i32 = arith.constant 0 : i32
    %c0_i32_0 = arith.constant 0 : i32
    return %arg0, %c0_i32 : i32, i32
  }
  func.func @transform_2(%arg0: i32) -> (i32, i32) {
    %c0_i32 = arith.constant 0 : i32
    %c0_i32_0 = arith.constant 0 : i32
    %c0_i32_1 = arith.constant 0 : i32
    return %c0_i32, %c0_i32_0 : i32, i32
  }
  func.func @transform_3(%arg0: i32) -> (i32, i32) {
    %c0_i32 = arith.constant 0 : i32
    %c0_i32_0 = arith.constant 0 : i32
    %c0_i32_1 = arith.constant 0 : i32
    return %c0_i32, %c0_i32_0 : i32, i32
  }
}

module attributes {stable_mosaic.version = 14 : i64} {
  func.func @_stats2_body(%arg0: i32, %arg1: memref<400x32x128xf32, #tpu.memory_space<vmem>>, %arg2: memref<400x128xf32, #tpu.memory_space<vmem>>, %arg3: memref<1x128xf32, #tpu.memory_space<vmem>>, %arg4: memref<1x128xf32, #tpu.memory_space<vmem>>, %arg5: memref<1x128xf32, #tpu.memory_space<vmem>>, %arg6: memref<1x128xf32, #tpu.memory_space<vmem>>, %arg7: memref<128x128xf32, #tpu.memory_space<vmem>>, %arg8: memref<1x128xf32, #tpu.memory_space<vmem>>, %arg9: memref<1x128xf32, #tpu.memory_space<vmem>>, %arg10: memref<1x128xf32, #tpu.memory_space<vmem>>) attributes {dimension_semantics = [#tpu.dimension_semantics<arbitrary>], iteration_bounds = array<i64: 25>, scalar_prefetch = 0 : i64, scratch_operands = 0 : i64, tpu.core_type = #tpu.core_type<tc>, window_params = [{transform_indices = @transform_0, window_bounds = array<i64: 400, 32, 128>}, {transform_indices = @transform_1, window_bounds = array<i64: 400, 128>}, {pipeline_mode = #tpu.pipeline_mode<synchronous>, transform_indices = @transform_2, window_bounds = array<i64: 1, 128>}, {pipeline_mode = #tpu.pipeline_mode<synchronous>, transform_indices = @transform_3, window_bounds = array<i64: 1, 128>}, {pipeline_mode = #tpu.pipeline_mode<synchronous>, transform_indices = @transform_4, window_bounds = array<i64: 1, 128>}, {pipeline_mode = #tpu.pipeline_mode<synchronous>, transform_indices = @transform_5, window_bounds = array<i64: 1, 128>}, {pipeline_mode = #tpu.pipeline_mode<synchronous>, transform_indices = @transform_6, window_bounds = array<i64: 128, 128>}, {pipeline_mode = #tpu.pipeline_mode<synchronous>, transform_indices = @transform_7, window_bounds = array<i64: 1, 128>}, {pipeline_mode = #tpu.pipeline_mode<synchronous>, transform_indices = @transform_8, window_bounds = array<i64: 1, 128>}, {pipeline_mode = #tpu.pipeline_mode<synchronous>, transform_indices = @transform_9, window_bounds = array<i64: 1, 128>}]} {
    %get3A = arith.constant 0 : index
    %get3A_0 = arith.constant 0 : index
    %get3A_1 = vector.load %arg3[%get3A, %get3A_0] : memref<1x128xf32, #tpu.memory_space<vmem>>, vector<1x128xf32>
    %div3A = arith.constant 3.200000e+05 : f32
    %div3A_2 = vector.broadcast %div3A : f32 to vector<1x128xf32>
    %div3A_3 = arith.divf %get3A_1, %div3A_2 : vector<1x128xf32>
    %get3A_4 = arith.constant 0 : index
    %get3A_5 = arith.constant 0 : index
    %get3A_6 = vector.load %arg4[%get3A_4, %get3A_5] : memref<1x128xf32, #tpu.memory_space<vmem>>, vector<1x128xf32>
    %div3A_7 = arith.constant 3.200000e+05 : f32
    %div3A_8 = vector.broadcast %div3A_7 : f32 to vector<1x128xf32>
    %div3A_9 = arith.divf %get3A_6, %div3A_8 : vector<1x128xf32>
    %mul3A = arith.mulf %div3A_3, %div3A_3 : vector<1x128xf32>
    %sub3A = arith.subf %div3A_9, %mul3A : vector<1x128xf32>
    %get3A_10 = arith.constant 0 : index
    %get3A_11 = arith.constant 0 : index
    %get3A_12 = vector.load %arg5[%get3A_10, %get3A_11] : memref<1x128xf32, #tpu.memory_space<vmem>>, vector<1x128xf32>
    %add3A = arith.constant 9.99999974E-6 : f32
    %add3A_13 = vector.broadcast %add3A : f32 to vector<1x128xf32>
    %add3A_14 = arith.addf %sub3A, %add3A_13 : vector<1x128xf32>
    %rsqrt3A = math.rsqrt %add3A_14 : vector<1x128xf32>
    %mul3A_15 = arith.mulf %get3A_12, %rsqrt3A : vector<1x128xf32>
    %get3A_16 = arith.constant 0 : index
    %get3A_17 = arith.constant 0 : index
    %get3A_18 = vector.load %arg6[%get3A_16, %get3A_17] : memref<1x128xf32, #tpu.memory_space<vmem>>, vector<1x128xf32>
    %mul3A_19 = arith.mulf %div3A_3, %mul3A_15 : vector<1x128xf32>
    %sub3A_20 = arith.subf %get3A_18, %mul3A_19 : vector<1x128xf32>
    %get3A_21 = arith.constant 0 : index
    %get3A_22 = arith.constant 0 : index
    %get3A_23 = arith.constant 0 : index
    %get3A_24 = vector.load %arg1[%get3A_21, %get3A_22, %get3A_23] : memref<400x32x128xf32, #tpu.memory_space<vmem>>, vector<400x32x128xf32>
    %get3A_25 = arith.constant 0 : index
    %get3A_26 = arith.constant 0 : index
    %get3A_27 = vector.load %arg2[%get3A_25, %get3A_26] : memref<400x128xf32, #tpu.memory_space<vmem>>, vector<400x128xf32>
    %broadcast_in_dim3A = vector.shape_cast %get3A_27 : vector<400x128xf32> to vector<400x1x128xf32>
    %sub3A_28 = vector.broadcast %broadcast_in_dim3A : vector<400x1x128xf32> to vector<400x32x128xf32>
    %sub3A_29 = arith.subf %get3A_24, %sub3A_28 : vector<400x32x128xf32>
    %reshape3A = vector.shape_cast %sub3A_29 : vector<400x32x128xf32> to vector<12800x128xf32>
    %mul3A_30 = vector.broadcast %mul3A_15 : vector<1x128xf32> to vector<12800x128xf32>
    %mul3A_31 = arith.mulf %reshape3A, %mul3A_30 : vector<12800x128xf32>
    %add3A_32 = vector.broadcast %sub3A_20 : vector<1x128xf32> to vector<12800x128xf32>
    %add3A_33 = arith.addf %mul3A_31, %add3A_32 : vector<12800x128xf32>
    %max3A = arith.constant 0.000000e+00 : f32
    %max3A_34 = vector.broadcast %max3A : f32 to vector<12800x128xf32>
    %max3A_35 = arith.maximumf %add3A_33, %max3A_34 : vector<12800x128xf32>
    %get3A_36 = arith.constant 0 : index
    %get3A_37 = arith.constant 0 : index
    %get3A_38 = vector.load %arg7[%get3A_36, %get3A_37] : memref<128x128xf32, #tpu.memory_space<vmem>>, vector<128x128xf32>
    %dot_general3A = arith.constant dense<0.000000e+00> : vector<12800x128xf32>
    %dot_general3A_39 = tpu.matmul %max3A_35, %get3A_38, %dot_general3A {dimension_numbers = #tpu.dot_dimension_numbers<[1], [0], [0], [1], [0, 0, 1, 1], [], []>, transpose_lhs_hint = false} : vector<12800x128xf32>, vector<128x128xf32>, vector<12800x128xf32> -> vector<12800x128xf32>
    %get3A_40 = arith.constant 0 : index
    %get3A_41 = arith.constant 0 : index
    %get3A_42 = vector.load %arg8[%get3A_40, %get3A_41] : memref<1x128xf32, #tpu.memory_space<vmem>>, vector<1x128xf32>
    %add3A_43 = vector.broadcast %get3A_42 : vector<1x128xf32> to vector<12800x128xf32>
    %add3A_44 = arith.addf %dot_general3A_39, %add3A_43 : vector<12800x128xf32>
    %eq3A = arith.constant 0 : i32
    %eq3A_45 = arith.cmpi eq, %arg0, %eq3A : i32
    %convert_element_type3A = arith.extui %eq3A_45 : i1 to i32
    %cond3A = arith.constant 0 : i32
    %cond3A_46 = arith.cmpi ne, %convert_element_type3A, %cond3A : i32
    scf.if %cond3A_46 {
      %broadcast_in_dim3A_66 = arith.constant 0.000000e+00 : f32
      %broadcast_in_dim3A_67 = vector.broadcast %broadcast_in_dim3A_66 : f32 to vector<1x128xf32>
      %swap3A_68 = arith.constant 0 : index
      %swap3A_69 = arith.constant 0 : index
      %swap3A_70 = vector.load %arg9[%swap3A_68, %swap3A_69] : memref<1x128xf32, #tpu.memory_space<vmem>>, vector<1x128xf32>
      tpu.vector_store %arg9[%swap3A_68, %swap3A_69], %broadcast_in_dim3A_67 {strides = array<i32>} : memref<1x128xf32, #tpu.memory_space<vmem>>, vector<1x128xf32>,
      %broadcast_in_dim3A_71 = arith.constant 0.000000e+00 : f32
      %broadcast_in_dim3A_72 = vector.broadcast %broadcast_in_dim3A_71 : f32 to vector<1x128xf32>
      %swap3A_73 = arith.constant 0 : index
      %swap3A_74 = arith.constant 0 : index
      %swap3A_75 = vector.load %arg10[%swap3A_73, %swap3A_74] : memref<1x128xf32, #tpu.memory_space<vmem>>, vector<1x128xf32>
      tpu.vector_store %arg10[%swap3A_73, %swap3A_74], %broadcast_in_dim3A_72 {strides = array<i32>} : memref<1x128xf32, #tpu.memory_space<vmem>>, vector<1x128xf32>,
    } else {
    }
    %get3A_47 = arith.constant 0 : index
    %get3A_48 = arith.constant 0 : index
    %get3A_49 = vector.load %arg9[%get3A_47, %get3A_48] : memref<1x128xf32, #tpu.memory_space<vmem>>, vector<1x128xf32>
    %reduce_sum3A = arith.constant dense<0.000000e+00> : vector<128xf32>
    %reduce_sum3A_50 = vector.multi_reduction <add>, %add3A_44, %reduce_sum3A [0] : vector<12800x128xf32> to vector<128xf32>
    %broadcast_in_dim3A_51 = vector.shape_cast %reduce_sum3A_50 : vector<128xf32> to vector<1x128xf32>
    %add3A_52 = arith.addf %get3A_49, %broadcast_in_dim3A_51 : vector<1x128xf32>
    %swap3A = arith.constant 0 : index
    %swap3A_53 = arith.constant 0 : index
    %swap3A_54 = vector.load %arg9[%swap3A, %swap3A_53] : memref<1x128xf32, #tpu.memory_space<vmem>>, vector<1x128xf32>
    tpu.vector_store %arg9[%swap3A, %swap3A_53], %add3A_52 {strides = array<i32>} : memref<1x128xf32, #tpu.memory_space<vmem>>, vector<1x128xf32>,
    %get3A_55 = arith.constant 0 : index
    %get3A_56 = arith.constant 0 : index
    %get3A_57 = vector.load %arg10[%get3A_55, %get3A_56] : memref<1x128xf32, #tpu.memory_space<vmem>>, vector<1x128xf32>
    %mul3A_58 = arith.mulf %add3A_44, %add3A_44 : vector<12800x128xf32>
    %reduce_sum3A_59 = arith.constant dense<0.000000e+00> : vector<128xf32>
    %reduce_sum3A_60 = vector.multi_reduction <add>, %mul3A_58, %reduce_sum3A_59 [0] : vector<12800x128xf32> to vector<128xf32>
    %broadcast_in_dim3A_61 = vector.shape_cast %reduce_sum3A_60 : vector<128xf32> to vector<1x128xf32>
    %add3A_62 = arith.addf %get3A_57, %broadcast_in_dim3A_61 : vector<1x128xf32>
    %swap3A_63 = arith.constant 0 : index
    %swap3A_64 = arith.constant 0 : index
    %swap3A_65 = vector.load %arg10[%swap3A_63, %swap3A_64] : memref<1x128xf32, #tpu.memory_space<vmem>>, vector<1x128xf32>
    tpu.vector_store %arg10[%swap3A_63, %swap3A_64], %add3A_62 {strides = array<i32>} : memref<1x128xf32, #tpu.memory_space<vmem>>, vector<1x128xf32>,
    return
  }
  func.func @transform_0(%arg0: i32) -> (i32, i32, i32) {
    %c0_i32 = arith.constant 0 : i32
    %c0_i32_0 = arith.constant 0 : i32
    %c0_i32_1 = arith.constant 0 : i32
    return %arg0, %c0_i32, %c0_i32_0 : i32, i32, i32
  }
  func.func @transform_1(%arg0: i32) -> (i32, i32) {
    %c0_i32 = arith.constant 0 : i32
    %c0_i32_0 = arith.constant 0 : i32
    return %arg0, %c0_i32 : i32, i32
  }
  func.func @transform_2(%arg0: i32) -> (i32, i32) {
    %c0_i32 = arith.constant 0 : i32
    %c0_i32_0 = arith.constant 0 : i32
    %c0_i32_1 = arith.constant 0 : i32
    return %c0_i32, %c0_i32_0 : i32, i32
  }
  func.func @transform_3(%arg0: i32) -> (i32, i32) {
    %c0_i32 = arith.constant 0 : i32
    %c0_i32_0 = arith.constant 0 : i32
    %c0_i32_1 = arith.constant 0 : i32
    return %c0_i32, %c0_i32_0 : i32, i32
  }
  func.func @transform_4(%arg0: i32) -> (i32, i32) {
    %c0_i32 = arith.constant 0 : i32
    %c0_i32_0 = arith.constant 0 : i32
    %c0_i32_1 = arith.constant 0 : i32
    return %c0_i32, %c0_i32_0 : i32, i32
  }
  func.func @transform_5(%arg0: i32) -> (i32, i32) {
    %c0_i32 = arith.constant 0 : i32
    %c0_i32_0 = arith.constant 0 : i32
    %c0_i32_1 = arith.constant 0 : i32
    return %c0_i32, %c0_i32_0 : i32, i32
  }
  func.func @transform_6(%arg0: i32) -> (i32, i32) {
    %c0_i32 = arith.constant 0 : i32
    %c0_i32_0 = arith.constant 0 : i32
    %c0_i32_1 = arith.constant 0 : i32
    return %c0_i32, %c0_i32_0 : i32, i32
  }
  func.func @transform_7(%arg0: i32) -> (i32, i32) {
    %c0_i32 = arith.constant 0 : i32
    %c0_i32_0 = arith.constant 0 : i32
    %c0_i32_1 = arith.constant 0 : i32
    return %c0_i32, %c0_i32_0 : i32, i32
  }
  func.func @transform_8(%arg0: i32) -> (i32, i32) {
    %c0_i32 = arith.constant 0 : i32
    %c0_i32_0 = arith.constant 0 : i32
    %c0_i32_1 = arith.constant 0 : i32
    return %c0_i32, %c0_i32_0 : i32, i32
  }
  func.func @transform_9(%arg0: i32) -> (i32, i32) {
    %c0_i32 = arith.constant 0 : i32
    %c0_i32_0 = arith.constant 0 : i32
    %c0_i32_1 = arith.constant 0 : i32
    return %c0_i32, %c0_i32_0 : i32, i32
  }
}

module attributes {stable_mosaic.version = 14 : i64} {
  func.func @_final_body(%arg0: i32, %arg1: memref<400x32x128xf32, #tpu.memory_space<vmem>>, %arg2: memref<400x128xf32, #tpu.memory_space<vmem>>, %arg3: memref<1x128xf32, #tpu.memory_space<vmem>>, %arg4: memref<1x128xf32, #tpu.memory_space<vmem>>, %arg5: memref<1x128xf32, #tpu.memory_space<vmem>>, %arg6: memref<1x128xf32, #tpu.memory_space<vmem>>, %arg7: memref<128x128xf32, #tpu.memory_space<vmem>>, %arg8: memref<1x128xf32, #tpu.memory_space<vmem>>, %arg9: memref<1x128xf32, #tpu.memory_space<vmem>>, %arg10: memref<1x128xf32, #tpu.memory_space<vmem>>, %arg11: memref<1x128xf32, #tpu.memory_space<vmem>>, %arg12: memref<1x128xf32, #tpu.memory_space<vmem>>, %arg13: memref<400x128xf32, #tpu.memory_space<vmem>>) attributes {dimension_semantics = [#tpu.dimension_semantics<arbitrary>], iteration_bounds = array<i64: 25>, scalar_prefetch = 0 : i64, scratch_operands = 0 : i64, tpu.core_type = #tpu.core_type<tc>, window_params = [{transform_indices = @transform_0, window_bounds = array<i64: 400, 32, 128>}, {transform_indices = @transform_1, window_bounds = array<i64: 400, 128>}, {pipeline_mode = #tpu.pipeline_mode<synchronous>, transform_indices = @transform_2, window_bounds = array<i64: 1, 128>}, {pipeline_mode = #tpu.pipeline_mode<synchronous>, transform_indices = @transform_3, window_bounds = array<i64: 1, 128>}, {pipeline_mode = #tpu.pipeline_mode<synchronous>, transform_indices = @transform_4, window_bounds = array<i64: 1, 128>}, {pipeline_mode = #tpu.pipeline_mode<synchronous>, transform_indices = @transform_5, window_bounds = array<i64: 1, 128>}, {pipeline_mode = #tpu.pipeline_mode<synchronous>, transform_indices = @transform_6, window_bounds = array<i64: 128, 128>}, {pipeline_mode = #tpu.pipeline_mode<synchronous>, transform_indices = @transform_7, window_bounds = array<i64: 1, 128>}, {pipeline_mode = #tpu.pipeline_mode<synchronous>, transform_indices = @transform_8, window_bounds = array<i64: 1, 128>}, {pipeline_mode = #tpu.pipeline_mode<synchronous>, transform_indices = @transform_9, window_bounds = array<i64: 1, 128>}, {pipeline_mode = #tpu.pipeline_mode<synchronous>, transform_indices = @transform_10, window_bounds = array<i64: 1, 128>}, {pipeline_mode = #tpu.pipeline_mode<synchronous>, transform_indices = @transform_11, window_bounds = array<i64: 1, 128>}, {transform_indices = @transform_12, window_bounds = array<i64: 400, 128>}]} {
    %get3A = arith.constant 0 : index
    %get3A_0 = arith.constant 0 : index
    %get3A_1 = vector.load %arg3[%get3A, %get3A_0] : memref<1x128xf32, #tpu.memory_space<vmem>>, vector<1x128xf32>
    %div3A = arith.constant 3.200000e+05 : f32
    %div3A_2 = vector.broadcast %div3A : f32 to vector<1x128xf32>
    %div3A_3 = arith.divf %get3A_1, %div3A_2 : vector<1x128xf32>
    %get3A_4 = arith.constant 0 : index
    %get3A_5 = arith.constant 0 : index
    %get3A_6 = vector.load %arg4[%get3A_4, %get3A_5] : memref<1x128xf32, #tpu.memory_space<vmem>>, vector<1x128xf32>
    %div3A_7 = arith.constant 3.200000e+05 : f32
    %div3A_8 = vector.broadcast %div3A_7 : f32 to vector<1x128xf32>
    %div3A_9 = arith.divf %get3A_6, %div3A_8 : vector<1x128xf32>
    %mul3A = arith.mulf %div3A_3, %div3A_3 : vector<1x128xf32>
    %sub3A = arith.subf %div3A_9, %mul3A : vector<1x128xf32>
    %get3A_10 = arith.constant 0 : index
    %get3A_11 = arith.constant 0 : index
    %get3A_12 = vector.load %arg5[%get3A_10, %get3A_11] : memref<1x128xf32, #tpu.memory_space<vmem>>, vector<1x128xf32>
    %add3A = arith.constant 9.99999974E-6 : f32
    %add3A_13 = vector.broadcast %add3A : f32 to vector<1x128xf32>
    %add3A_14 = arith.addf %sub3A, %add3A_13 : vector<1x128xf32>
    %rsqrt3A = math.rsqrt %add3A_14 : vector<1x128xf32>
    %mul3A_15 = arith.mulf %get3A_12, %rsqrt3A : vector<1x128xf32>
    %get3A_16 = arith.constant 0 : index
    %get3A_17 = arith.constant 0 : index
    %get3A_18 = vector.load %arg6[%get3A_16, %get3A_17] : memref<1x128xf32, #tpu.memory_space<vmem>>, vector<1x128xf32>
    %mul3A_19 = arith.mulf %div3A_3, %mul3A_15 : vector<1x128xf32>
    %sub3A_20 = arith.subf %get3A_18, %mul3A_19 : vector<1x128xf32>
    %get3A_21 = arith.constant 0 : index
    %get3A_22 = arith.constant 0 : index
    %get3A_23 = vector.load %arg9[%get3A_21, %get3A_22] : memref<1x128xf32, #tpu.memory_space<vmem>>, vector<1x128xf32>
    %div3A_24 = arith.constant 3.200000e+05 : f32
    %div3A_25 = vector.broadcast %div3A_24 : f32 to vector<1x128xf32>
    %div3A_26 = arith.divf %get3A_23, %div3A_25 : vector<1x128xf32>
    %get3A_27 = arith.constant 0 : index
    %get3A_28 = arith.constant 0 : index
    %get3A_29 = vector.load %arg10[%get3A_27, %get3A_28] : memref<1x128xf32, #tpu.memory_space<vmem>>, vector<1x128xf32>
    %div3A_30 = arith.constant 3.200000e+05 : f32
    %div3A_31 = vector.broadcast %div3A_30 : f32 to vector<1x128xf32>
    %div3A_32 = arith.divf %get3A_29, %div3A_31 : vector<1x128xf32>
    %mul3A_33 = arith.mulf %div3A_26, %div3A_26 : vector<1x128xf32>
    %sub3A_34 = arith.subf %div3A_32, %mul3A_33 : vector<1x128xf32>
    %get3A_35 = arith.constant 0 : index
    %get3A_36 = arith.constant 0 : index
    %get3A_37 = vector.load %arg11[%get3A_35, %get3A_36] : memref<1x128xf32, #tpu.memory_space<vmem>>, vector<1x128xf32>
    %add3A_38 = arith.constant 9.99999974E-6 : f32
    %add3A_39 = vector.broadcast %add3A_38 : f32 to vector<1x128xf32>
    %add3A_40 = arith.addf %sub3A_34, %add3A_39 : vector<1x128xf32>
    %rsqrt3A_41 = math.rsqrt %add3A_40 : vector<1x128xf32>
    %mul3A_42 = arith.mulf %get3A_37, %rsqrt3A_41 : vector<1x128xf32>
    %get3A_43 = arith.constant 0 : index
    %get3A_44 = arith.constant 0 : index
    %get3A_45 = vector.load %arg12[%get3A_43, %get3A_44] : memref<1x128xf32, #tpu.memory_space<vmem>>, vector<1x128xf32>
    %mul3A_46 = arith.mulf %div3A_26, %mul3A_42 : vector<1x128xf32>
    %sub3A_47 = arith.subf %get3A_45, %mul3A_46 : vector<1x128xf32>
    %get3A_48 = arith.constant 0 : index
    %get3A_49 = arith.constant 0 : index
    %get3A_50 = arith.constant 0 : index
    %get3A_51 = vector.load %arg1[%get3A_48, %get3A_49, %get3A_50] : memref<400x32x128xf32, #tpu.memory_space<vmem>>, vector<400x32x128xf32>
    %get3A_52 = arith.constant 0 : index
    %get3A_53 = arith.constant 0 : index
    %get3A_54 = vector.load %arg2[%get3A_52, %get3A_53] : memref<400x128xf32, #tpu.memory_space<vmem>>, vector<400x128xf32>
    %broadcast_in_dim3A = vector.shape_cast %get3A_54 : vector<400x128xf32> to vector<400x1x128xf32>
    %sub3A_55 = vector.broadcast %broadcast_in_dim3A : vector<400x1x128xf32> to vector<400x32x128xf32>
    %sub3A_56 = arith.subf %get3A_51, %sub3A_55 : vector<400x32x128xf32>
    %reshape3A = vector.shape_cast %sub3A_56 : vector<400x32x128xf32> to vector<12800x128xf32>
    %mul3A_57 = vector.broadcast %mul3A_15 : vector<1x128xf32> to vector<12800x128xf32>
    %mul3A_58 = arith.mulf %reshape3A, %mul3A_57 : vector<12800x128xf32>
    %add3A_59 = vector.broadcast %sub3A_20 : vector<1x128xf32> to vector<12800x128xf32>
    %add3A_60 = arith.addf %mul3A_58, %add3A_59 : vector<12800x128xf32>
    %max3A = arith.constant 0.000000e+00 : f32
    %max3A_61 = vector.broadcast %max3A : f32 to vector<12800x128xf32>
    %max3A_62 = arith.maximumf %add3A_60, %max3A_61 : vector<12800x128xf32>
    %get3A_63 = arith.constant 0 : index
    %get3A_64 = arith.constant 0 : index
    %get3A_65 = vector.load %arg7[%get3A_63, %get3A_64] : memref<128x128xf32, #tpu.memory_space<vmem>>, vector<128x128xf32>
    %dot_general3A = arith.constant dense<0.000000e+00> : vector<12800x128xf32>
    %dot_general3A_66 = tpu.matmul %max3A_62, %get3A_65, %dot_general3A {dimension_numbers = #tpu.dot_dimension_numbers<[1], [0], [0], [1], [0, 0, 1, 1], [], []>, transpose_lhs_hint = false} : vector<12800x128xf32>, vector<128x128xf32>, vector<12800x128xf32> -> vector<12800x128xf32>
    %get3A_67 = arith.constant 0 : index
    %get3A_68 = arith.constant 0 : index
    %get3A_69 = vector.load %arg8[%get3A_67, %get3A_68] : memref<1x128xf32, #tpu.memory_space<vmem>>, vector<1x128xf32>
    %add3A_70 = vector.broadcast %get3A_69 : vector<1x128xf32> to vector<12800x128xf32>
    %add3A_71 = arith.addf %dot_general3A_66, %add3A_70 : vector<12800x128xf32>
    %mul3A_72 = vector.broadcast %mul3A_42 : vector<1x128xf32> to vector<12800x128xf32>
    %mul3A_73 = arith.mulf %add3A_71, %mul3A_72 : vector<12800x128xf32>
    %add3A_74 = vector.broadcast %sub3A_47 : vector<1x128xf32> to vector<12800x128xf32>
    %add3A_75 = arith.addf %mul3A_73, %add3A_74 : vector<12800x128xf32>
    %max3A_76 = arith.constant 0.000000e+00 : f32
    %max3A_77 = vector.broadcast %max3A_76 : f32 to vector<12800x128xf32>
    %max3A_78 = arith.maximumf %add3A_75, %max3A_77 : vector<12800x128xf32>
    %reshape3A_79 = vector.shape_cast %max3A_78 : vector<12800x128xf32> to vector<400x32x128xf32>
    %reduce_max3A = arith.constant dense<0xFF800000> : vector<400x128xf32>
    %reduce_max3A_80 = vector.multi_reduction <maximumf>, %reshape3A_79, %reduce_max3A [1] : vector<400x32x128xf32> to vector<400x128xf32>
    %swap3A = arith.constant 0 : index
    %swap3A_81 = arith.constant 0 : index
    %swap3A_82 = vector.load %arg13[%swap3A, %swap3A_81] : memref<400x128xf32, #tpu.memory_space<vmem>>, vector<400x128xf32>
    tpu.vector_store %arg13[%swap3A, %swap3A_81], %reduce_max3A_80 {strides = array<i32>} : memref<400x128xf32, #tpu.memory_space<vmem>>, vector<400x128xf32>,
    return
  }
  func.func @transform_0(%arg0: i32) -> (i32, i32, i32) {
    %c0_i32 = arith.constant 0 : i32
    %c0_i32_0 = arith.constant 0 : i32
    %c0_i32_1 = arith.constant 0 : i32
    return %arg0, %c0_i32, %c0_i32_0 : i32, i32, i32
  }
  func.func @transform_1(%arg0: i32) -> (i32, i32) {
    %c0_i32 = arith.constant 0 : i32
    %c0_i32_0 = arith.constant 0 : i32
    return %arg0, %c0_i32 : i32, i32
  }
  func.func @transform_2(%arg0: i32) -> (i32, i32) {
    %c0_i32 = arith.constant 0 : i32
    %c0_i32_0 = arith.constant 0 : i32
    %c0_i32_1 = arith.constant 0 : i32
    return %c0_i32, %c0_i32_0 : i32, i32
  }
  func.func @transform_3(%arg0: i32) -> (i32, i32) {
    %c0_i32 = arith.constant 0 : i32
    %c0_i32_0 = arith.constant 0 : i32
    %c0_i32_1 = arith.constant 0 : i32
    return %c0_i32, %c0_i32_0 : i32, i32
  }
  func.func @transform_4(%arg0: i32) -> (i32, i32) {
    %c0_i32 = arith.constant 0 : i32
    %c0_i32_0 = arith.constant 0 : i32
    %c0_i32_1 = arith.constant 0 : i32
    return %c0_i32, %c0_i32_0 : i32, i32
  }
  func.func @transform_5(%arg0: i32) -> (i32, i32) {
    %c0_i32 = arith.constant 0 : i32
    %c0_i32_0 = arith.constant 0 : i32
    %c0_i32_1 = arith.constant 0 : i32
    return %c0_i32, %c0_i32_0 : i32, i32
  }
  func.func @transform_6(%arg0: i32) -> (i32, i32) {
    %c0_i32 = arith.constant 0 : i32
    %c0_i32_0 = arith.constant 0 : i32
    %c0_i32_1 = arith.constant 0 : i32
    return %c0_i32, %c0_i32_0 : i32, i32
  }
  func.func @transform_7(%arg0: i32) -> (i32, i32) {
    %c0_i32 = arith.constant 0 : i32
    %c0_i32_0 = arith.constant 0 : i32
    %c0_i32_1 = arith.constant 0 : i32
    return %c0_i32, %c0_i32_0 : i32, i32
  }
  func.func @transform_8(%arg0: i32) -> (i32, i32) {
    %c0_i32 = arith.constant 0 : i32
    %c0_i32_0 = arith.constant 0 : i32
    %c0_i32_1 = arith.constant 0 : i32
    return %c0_i32, %c0_i32_0 : i32, i32
  }
  func.func @transform_9(%arg0: i32) -> (i32, i32) {
    %c0_i32 = arith.constant 0 : i32
    %c0_i32_0 = arith.constant 0 : i32
    %c0_i32_1 = arith.constant 0 : i32
    return %c0_i32, %c0_i32_0 : i32, i32
  }
  func.func @transform_10(%arg0: i32) -> (i32, i32) {
    %c0_i32 = arith.constant 0 : i32
    %c0_i32_0 = arith.constant 0 : i32
    %c0_i32_1 = arith.constant 0 : i32
    return %c0_i32, %c0_i32_0 : i32, i32
  }
  func.func @transform_11(%arg0: i32) -> (i32, i32) {
    %c0_i32 = arith.constant 0 : i32
    %c0_i32_0 = arith.constant 0 : i32
    %c0_i32_1 = arith.constant 0 : i32
    return %c0_i32, %c0_i32_0 : i32, i32
  }
  func.func @transform_12(%arg0: i32) -> (i32, i32) {
    %c0_i32 = arith.constant 0 : i32
    %c0_i32_0 = arith.constant 0 : i32
    return %arg0, %c0_i32 : i32, i32
  }
}

</mosaic_0001>

<sc_bundles>
// kernel: kernel.8.cloned.1.call-start
scs
__scs_entry_jumppad:
0x0: {  	(pc) =	sbr.rel $0x88, $3  }
0x1: {  	(tag) =	ssettag $0x0;
	lr =	simm.s32 $0x1  }
0x2: {  	[smem:$0x3F96] =	sst lr;
	_ =	strace $0xD0000000  }
0x3: {  	_ = 	snop  }
0x4: {  	_ = 	snop  }
0x5: {  	_ = 	snop  }
0x6: {  	_ = 	snop  }
0x7: {  	_ = 	snop  }
__scs_overlays_trampoline_lowered:
0x8: {  	[smem:$0x3FA5] =	sst s0  }
0x9: {  	[smem:$0x3FA6] =	sst s1  }
0xa: {  	[smem:$0x3FA7] =	sst s2  }
0xb: {  	[smem:$0x3FA8] =	sst s3  }
0xc: {  	[smem:$0x3FA9] =	sst s4  }
0xd: {  	[smem:$0x3FAA] =	sst s5  }
0xe: {  	[smem:$0x3FAB] =	sst s6  }
0xf: {  	[smem:$0x3FAC] =	sst s7  }
0x10: {  	[smem:$0x3FAD] =	sst s8  }
0x11: {  	[smem:$0x3FAE] =	sst s9;
	s0 =	simm.s32 @!p0 $0x0  }
0x12: {  	s1 =	sld [smem:$0x3F94];
	s0 =	simm.s32 @p0 $0x1  }
0x13: {  	[smem:$0x3FAF] =	sst s0;
	s0 =	simm.s32 @!p1 $0x0  }
0x14: {  	s2 =	sld [smem:$0x3F93];
	s0 =	simm.s32 @p1 $0x1  }
0x15: {  	[smem:$0x3FB0] =	sst s0;
	s0 =	simm.s32 @!p2 $0x0  }
0x16: {  	s3 =	sld [smem:$0x3FDB];
	s0 =	simm.s32 @p2 $0x1  }
0x17: {  	s4 =	simm.s32 $0x1BF5;
	[smem:$0x3FB2] =	sst s0  }
0x18: {  	s0 =	sld [smem:$0x3F95];
	_ =	swait.ge [sflag:s4], $0x0  }
0x19: {  	s7 =	sld [smem:$0x3F96]  }
0x1a: {  	s8 =	sadd.s32 $0xFFFFE003, lr  }
0x1b: {  	s9 =	sadd.s32 $0xFFFFFEF7, lr;
	s5 =	simm.s32 $0xFFFFFFFF;
	p2 =	slt.u32 s8, $0xFFFFF086  }
0x1c: {  	p1 =	slt.u32 s9, $0xF7A;
	s5 =	simm.s32 @!p2 $0x0  }
0x1d: {  	s5 =	simm.s32 @p1 $0x1;
	p0 =	seq.s32 s7, s2  }
0x1e: {  	s7 =	smul.u32 @!p0 $0xF7A, s2;
	p2 =	seq.s32 @!p0 s5, $0x0  }
0x1f: {  	s9 =	smul.u32 $0xF7A, s1;
	s8 =	simm.s32 @!p0 $0x1BF5;
	p2 =	por !p2, p0  }
0x20: {  	[sflag:s8] =	ssyncset.s32 @!p0 $0xFFFFF086;
	s6 =	sadd.s32 @!p0 s3, s7;
	s7 =	simm.s32 @!p0 $0x108  }
0x21: {  	s3 =	sadd.s32 s3, s9;
	s6 =	sadd.s32 @!p0 $0x88, s6;
	s7 =	simm.s32 @p2 $0x1082  }
0x22: {  	[simem:s7], [sflag:s8] =	dma.local @!p0 [hbm:s6], $0xF7A  }
0x23: {  	s9 =	sor.u32 $0xD0000000, s2;
	s6 =	simm.s32 $0x108;
	_ =	swait.ge @!p0 [sflag:s8], $0x0  }
0x24: {  	s3 =	sadd.s32 $0x88, s3;
	s6 =	simm.s32 @!p1 $0x1082;
	[sflag:s4] =	ssyncset.s32 $0xFFFFF086  }
0x25: {  	[simem:s6], [sflag:s4] =	dma.local [hbm:s3], $0xF7A  }
0x26: {  	[smem:$0x3F96] =	sst s1;
	(tag) =	ssettag s2;
	_ =	strace s9  }
0x27: {  	s1 =	sld [smem:$0x3FA6]  }
0x28: {  	s2 =	sld [smem:$0x3FA7]  }
0x29: {  	s4 =	sld [smem:$0x3FA9]  }
0x2a: {  	p0 =	seq.s32 s5, $0x0;
	s5 =	sld [smem:$0x3FAA]  }
0x2b: {  	s6 =	sld [smem:$0x3FAB]  }
0x2c: {  	s7 =	sld [smem:$0x3FAC]  }
0x2d: {  	s3 =	simm.s32 $0x108;
	s8 =	sld [smem:$0x3FAD]  }
0x2e: {  	s3 =	simm.s32 @!p0 $0x1082;
	s9 =	sld [smem:$0x3FAE]  }
0x2f: {  	lr =	sadd.s32 s0, s3;
	s0 =	sld [smem:$0x3FA5]  }
0x30: {  	s3 =	sld [smem:$0x3FA8]  }
0x31: {  	[smem:$0x3FB1] =	sst s10  }
0x32: {  	s10 =	sld [smem:$0x3FAF];
	_ =	sdelay $0x3  }
0x33: {  	p0 =	seq.s32 s10, $0x1;
	s10 =	sld [smem:$0x3FB1];
	_ =	sdelay $0x3  }
0x34: {  	[smem:$0x3FB1] =	sst s10  }
0x35: {  	s10 =	sld [smem:$0x3FB0];
	_ =	sdelay $0x3  }
0x36: {  	p1 =	seq.s32 s10, $0x1;
	s10 =	sld [smem:$0x3FB1];
	_ =	sdelay $0x3  }
0x37: {  	[smem:$0x3FB1] =	sst s10  }
0x38: {  	s10 =	sld [smem:$0x3FB2]  }
0x39: {  	_ = 	snop;
	(pc) =	sbr.ind lr, $3  }
0x3a: {  	_ = 	snop  }
0x3b: {  	_ = 	snop  }
0x3c: {  	p2 =	seq.s32 s10, $0x1;
	s10 =	sld [smem:$0x3FB1]  }
0x3d: {  	_ =	shalt  }
0x3e: {  	_ =	shalt  }
0x3f: {  	_ =	shalt  }
0x40: {  	_ =	shalt  }
0x41: {  	_ =	shalt  }
0x42: {  	_ =	shalt  }
0x43: {  	_ =	shalt  }
0x44: {  	_ =	shalt  }
0x45: {  	_ =	shalt  }
0x46: {  	_ =	shalt  }
0x47: {  	_ =	shalt  }
0x48: {  	_ =	shalt  }
0x49: {  	_ =	shalt  }
0x4a: {  	_ =	shalt  }
0x4b: {  	_ =	shalt  }
0x4c: {  	_ =	shalt  }
0x4d: {  	_ =	shalt  }
0x4e: {  	_ =	shalt  }
0x4f: {  	_ =	shalt  }
0x50: {  	_ =	shalt  }
0x51: {  	_ =	shalt  }
0x52: {  	_ =	shalt  }
0x53: {  	_ =	shalt  }
0x54: {  	_ =	shalt  }
0x55: {  	_ =	shalt  }
0x56: {  	_ =	shalt  }
0x57: {  	_ =	shalt  }
0x58: {  	_ =	shalt  }
0x59: {  	_ =	shalt  }
0x5a: {  	_ =	shalt  }
0x5b: {  	_ =	shalt  }
0x5c: {  	_ =	shalt  }
0x5d: {  	_ =	shalt  }
0x5e: {  	_ =	shalt  }
0x5f: {  	_ =	shalt  }
0x60: {  	_ =	shalt  }
0x61: {  	_ =	shalt  }
0x62: {  	_ =	shalt  }
0x63: {  	_ =	shalt  }
0x64: {  	_ =	shalt  }
0x65: {  	_ =	shalt  }
0x66: {  	_ =	shalt  }
0x67: {  	_ =	shalt  }
0x68: {  	_ =	shalt  }
0x69: {  	_ =	shalt  }
0x6a: {  	_ =	shalt  }
0x6b: {  	_ =	shalt  }
0x6c: {  	_ =	shalt  }
0x6d: {  	_ =	shalt  }
0x6e: {  	_ =	shalt  }
0x6f: {  	_ =	shalt  }
0x70: {  	_ =	shalt  }
0x71: {  	_ =	shalt  }
0x72: {  	_ =	shalt  }
0x73: {  	_ =	shalt  }
0x74: {  	_ =	shalt  }
0x75: {  	_ =	shalt  }
0x76: {  	_ =	shalt  }
0x77: {  	_ =	shalt  }
0x78: {  	_ =	shalt  }
0x79: {  	_ =	shalt  }
0x7a: {  	_ =	shalt  }
0x7b: {  	_ =	shalt  }
0x7c: {  	_ =	shalt  }
0x7d: {  	_ =	shalt  }
0x7e: {  	_ =	shalt  }
0x7f: {  	_ =	shalt  }
0x80: {  	_ =	shalt  }
0x81: {  	_ =	shalt  }
0x82: {  	_ =	shalt  }
0x83: {  	_ =	shalt  }
0x84: {  	_ =	shalt  }
0x85: {  	_ =	shalt  }
0x86: {  	_ =	shalt  }
0x87: {  	_ =	shalt  }
.Lfunc_end0:
.L_simem_size_0:
called_computation_lowered:
.L_overlay_start_0:
0x88: {  	s2 =	sld [smem:$0x3FD9]  }
0x89: {  	s3 =	sld [smem:$0x3FFE];
	_ =	sdelay $0x1  }
0x8a: {  	s1 =	srdreg.scid  }
0x8b: {  	s0 =	sand.u32 $0x1, s1  }
0x8c: {  	s14 =	sshll.u32 s0, $0xA;
	s2 =	sadd.s32 s3, s2  }
0x8d: {  	s2 =	sadd.s32 s2, s14  }
0x8e: {  	[smem:$0x3FBD] =	sst s2  }
0x8f: {  	_ = 	snop  }
0x90: {  	s2 =	sld [smem:$0x3FD0];
	_ =	sdelay $0x2  }
0x91: {  	s15 =	simm.s32 $0xA;
	s4 =	simm.s32 $0x10  }
0x92: {  	[smem:s4], [sflag:s15] =	dma.local [hbm:s2], $0x1  }
0x93: {  	_ =	swait.eq [sflag:s15], $0x1  }
0x94: {  	[sflag:s15] =	ssyncset.done $0x0  }
0x95: {  	[sflag:s15] =	ssyncadd.s32 $0xFFFFFFFF  }
0x96: {  	s16 =	sld [smem:$0x11];
	(tm) =	ssettm $0x1  }
0x97: {  	s17 =	sld [smem:$0x3FFB];
	_ =	sdelay $0x3  }
0x98: {  	_ =	strace s17  }
0x99: {  	s3 =	sld [smem:$0x3FFC];
	_ =	sdelay $0x3  }
0x9a: {  	_ =	strace s3  }
0x9b: {  	s3 =	sld [smem:$0x3FFD];
	_ =	sdelay $0x3  }
0x9c: {  	_ =	strace s3  }
0x9d: {  	_ =	strace $0x8FFFFFFF  }
0x9e: {  	s18 =	sld [smem:$0x3FDB];
	_ =	sdelay $0x1  }
0x9f: {  	s19 =	simm.s32 $_scs_section_size  }
0xa0: {  	s5 =	simm.s32 $_size__tile_overlayer_lowered;
	s6 =	simm.s32 $_tile_overlayer_lowered  }
0xa1: {  	s22 =	simm.s32 $0x1BFF;
	s21 =	sshll.u32 s6, $0x1;
	s3 =	sadd.s32 s19, s18  }
0xa2: {  	s7 =	simm.s32 $0x0;
	s20 =	sshll.u32 s5, $0x1;
	s5 =	sadd.s32 s21, s3  }
0xa3: {  	[timem:s7], [sflag:s22] =	dma.local [hbm:s5], s20  }
0xa4: {  	_ =	swait.ge [sflag:s22], s20  }
0xa5: {  	s4 =	ssub.s32 $0x0, s20;
	[sflag:s22] =	ssyncset.done $0x0  }
0xa6: {  	[sflag:s22] =	ssyncadd.s32 s4;
	_ =	sdelay $0x1  }
0xa7: {  	s23 =	simm.s32 $0x1B8B  }
0xa8: {  	_ =	swait.ge [sflag:s23], $0x1  }
0xa9: {  	[sflag:s23] =	ssyncset.done $0x0  }
0xaa: {  	s25 =	simm.s32 $0x1B8E;
	s24 =	sld [smem:$0x3FFE];
	[sflag:s23] =	ssyncadd.s32 $0xFFFFFFFF  }
0xab: {  	s26 =	simm.s32 $execute0_lowered;
	[smem:$0x3FD2] =	sst s25  }
0xac: {  	s5 =	sshll.u32 s26, $0x1;
	_ =	strace $0x80000046;
	[dreg:$0x1] =	wrdreg $0xFFFFFFFF  }
0xad: {  	s28 =	simm.s32 $_size_execute0_lowered;
	s3 =	sadd.s32 s3, s5;
	[dreg:$0x0] =	wrdreg $0x0  }
0xae: {  	s5 =	sshll.u32 s28, $0x1;
	[dreg:$0x2] =	wrdreg s3  }
0xaf: {  	[dreg:$0x3] =	wrdreg s5  }
0xb0: {  	[dreg:$0x4] =	wrdreg $0xC0  }
0xb1: {  	_ =	task [dreg:s7], $0x5FFFF  }
0xb2: {  	[dreg:$0x1] =	wrdreg $0xFFFFFFFF  }
0xb3: {  	[dreg:$0x0] =	wrdreg $0x60  }
0xb4: {  	[dreg:$0x2] =	wrdreg s16  }
0xb5: {  	[dreg:$0x3] =	wrdreg s24  }
0xb6: {  	[dreg:$0x4] =	wrdreg $0x9  }
0xb7: {  	_ =	task.clear_ibuf [dreg:s7], $0x5FFFF;
	_ =	strace $0x90000046  }
0xb8: {  	s29 =	simm.s32 $0x9;
	_ =	strace $0x80000048  }
0xb9: {  	_ =	swait.ge [sflag:s29], $0x1  }
0xba: {  	[sflag:s29] =	ssyncadd.s32 $0xFFFFFFFF  }
0xbb: {  	_ =	strace $0x90000048  }
0xbc: {  	_ =	sfence  }
0xbd: {  	s30 =	sld [smem:$0x0];
	_ =	sdelay $0x2  }
0xbe: {  	s31 =	sshll.u32 s1, $0xD;
	s1 =	sshrl.u32 s1, $0x2  }
0xbf: {  	s3 =	sand.u32 $0x4000, s31;
	s1 =	sadd.s32 s1, s30  }
0xc0: {  	s0 =	sor.u32 s3, s0;
	s1 =	sshll.u32 s1, $0x11  }
0xc1: {  	s0 =	sor.u32 s1, s0  }
0xc2: {  	s0 =	sadd.s32 $0x8F2B, s0  }
0xc3: {  	[sflag:s0] =	ssyncadd.remote.s32 $0x1  }
0xc4: {  	_ =	sfence.sel $0xFFFF  }
0xc5: {  	[dreg:$0x0] =	wrdreg $0xFFFFFFFF;
	(pc) =	sbr.abs _section_cstart, $3  }
0xc6: {  	[dreg:$0x1] =	wrdreg $0xFFFFFFFF  }
0xc7: {  	_ =	task.clear_ibuf [dreg:s7], $0x2FFFF;
	_ =	strace $0x9FFFFFFF  }
0xc8: {  	(tm) =	ssettm $0x7FFFFFFF  }
0xc9: {  	_ =	shalt  }
tec
execute0_lowered:
.L_overlay_start_1:
0x0: {  	(tag) =	ssettag $0x1  }
0x1: {  	s2 =	rddreg [dreg:$0x0];
	s1 =	srdreg.scid  }
0x2: {  	s0 =	stileid.u32;
	s5 =	rddreg [dreg:$0x1];
	s3 =	simm.s32 $0x0  }
0x3: {  	s16 =	simm.s32 $0x100;
	s17 =	simm.s32 $0x6600;
	s18 =	simm.s32 $0x1  }
0x4: {  	s19 =	simm.s32 $0x2;
	s20 =	simm.s32 $0x0;
	s9 =	sand.u32 $0x1, s1  }
0x5: {  	s4 =	sshll.u32 s0, $0x1;
	s1 =	rddreg [dreg:$0x2];
	s13 =	smul.u32 $0x4E20, s0  }
0x6: {  	[smem:$0x7FF] =	sst s3;
	s10 =	sadd.s32 $0x33C00, s5;
	s14 =	smul.u32 $0x4E200, s0  }
0x7: {  	s6 =	sor.u32 s9, s4;
	s8 =	ssub.s32 $0x2, s9;
	s30 =	smul.u32 $0x2710, s9  }
0x8: {  	_ =	strace $0x80000047;
	s7 =	smul.u32 $0x2710, s6;
	s26 =	sshrl.u32 s8, $0x1  }
0x9: {  	s4 =	sadd.s32 $0x2C00, s5;
	s28 =	smul.u32 $0x27100, s6;
	s8 =	ssub.s32 s8, s26  }
0xa: {  	s15 =	smul.u32 $0x27100, s9;
	s11 =	sshrl.u32 s7, $0x3;
	s6 =	smax.u32 s8, $0x1  }
0xb: {  	s12 =	sadd.s32 $0x2648, s7;
	s29 =	sadd.s32 s10, s28;
	s5 =	sadd.s32 s4, s11  }
0xc: {  	s7 =	sshrl.u32 s12, $0x3;
	s8 =	sadd.s32 $0x25800, s29;
	s12 =	sshll.u32 s12, $0x4  }
0xd: {  	s11 =	sadd.s32 s30, s13;
	s13 =	simm.s32 $0x3;
	s7 =	sadd.s32 s4, s7  }
0xe: {  	s9 =	sadd.s32 s10, s12;
	s10 =	sadd.s32 s14, s10;
	s31 =	sadd.s32 $0xC8, s11  }
0xf: {  	s11 =	sadd.s32 $0x190, s11;
	s14 =	simm.s32 $0xC8;
	s12 =	sshrl.u32 s31, $0x3  }
0x10: {  	s10 =	sadd.s32 s15, s10;
	s15 =	simm.s32 $0x200;
	s12 =	sadd.s32 s12, s4  }
.LBB2_1:
0x11: {  	[tilespmem:s3], [sflag:$0x3] =	stream.linear.gather [hbm4b:s5+s3], $0xC8, $0x38;
	[tilespmem:$0xCA00] =	vst v63  }
0x12: {  	_ =	swait.ge [sflag:s13], $0xC8  }
0x13: {  	[sflag:s13] =	ssyncset.done $0x0  }
0x14: {  	[sflag:s13] =	ssyncadd.s32 $0xFFFFFF38  }
0x15: {  	[tilespmem:s15], [sflag:$0x1] =	stream.indirect.gather [hbm4b:s2+s14], $0x80, s3, s14, $0xb8;
	[tilespmem:$0xCA00] =	vst v63  }
0x16: {  	s21 =	sadd.s32 $0x0, s12  }
0x17: {  	[tilespmem:s16], [sflag:$0x3] =	stream.linear.gather [hbm4b:s21+s3], $0xC8, $0x38;
	[tilespmem:$0xCA00] =	vst v63  }
0x18: {  	_ =	swait.ge [sflag:s13], $0xC8  }
0x19: {  	[sflag:s13] =	ssyncset.done $0x0  }
0x1a: {  	[sflag:s13] =	ssyncadd.s32 $0xFFFFFF38  }
0x1b: {  	[tilespmem:s17], [sflag:$0x2] =	stream.indirect.gather [hbm4b:s2+s14], $0x80, s16, s14, $0xb8;
	[tilespmem:$0xCA00] =	vst v63  }
0x1c: {  	_ =	swait.ge [sflag:s18], $0x6400  }
0x1d: {  	[sflag:s18] =	ssyncset.done $0x0  }
0x1e: {  	[sflag:s18] =	ssyncadd.s32 $0xFFFF9C00  }
0x1f: {  	[hbm4b:s10+s3] =	stream.linear.scatter [tilespmem:s15], [sflag:$0x3], $0x6400, $0x38;
	[tilespmem:$0xCA00] =	vst v63  }
0x20: {  	_ =	swait.ge [sflag:s13], $0x6400  }
0x21: {  	s30 =	sshrl.u32 s11, $0x3;
	[sflag:s13] =	ssyncset.done $0x0  }
0x22: {  	s21 =	sadd.s32 s4, s30;
	[sflag:s13] =	ssyncadd.s32 $0xFFFF9C00  }
0x23: {  	[tilespmem:s3], [sflag:$0x3] =	stream.linear.gather [hbm4b:s21+s3], $0xC8, $0x38;
	[tilespmem:$0xCA00] =	vst v63  }
0x24: {  	_ =	swait.ge [sflag:s13], $0xC8  }
0x25: {  	[sflag:s13] =	ssyncset.done $0x0  }
0x26: {  	[sflag:s13] =	ssyncadd.s32 $0xFFFFFF38  }
0x27: {  	[tilespmem:s15], [sflag:$0x1] =	stream.indirect.gather [hbm4b:s2+s14], $0x80, s3, s14, $0xb8;
	[tilespmem:$0xCA00] =	vst v63  }
0x28: {  	_ =	swait.ge [sflag:s19], $0x6400  }
0x29: {  	[sflag:s19] =	ssyncset.done $0x0  }
0x2a: {  	s31 =	sadd.s32 $0xC80, s10;
	[sflag:s19] =	ssyncadd.s32 $0xFFFF9C00  }
0x2b: {  	[hbm4b:s31+s3] =	stream.linear.scatter [tilespmem:s17], [sflag:$0x3], $0x6400, $0x38;
	[tilespmem:$0xCA00] =	vst v63  }
0x2c: {  	s23 =	simm.s32 $0x32;
	s24 =	simm.s32 $0x64;
	_ =	swait.ge [sflag:s13], $0x6400  }
0x2d: {  	s22 =	sadd.s32 $0x190, s11;
	s21 =	sadd.s32 $0x1900, s10;
	[sflag:s13] =	ssyncset.done $0x0  }
.LBB2_2:
0x2e: {  	s25 =	sadd.s32 s23, s12  }
0x2f: {  	[sflag:s13] =	ssyncadd.s32 $0xFFFF9C00;
	s23 =	smov.u32 s24;
	s26 =	sadd.s32 $0x32, s24  }
0x30: {  	[tilespmem:s16], [sflag:$0x3] =	stream.linear.gather [hbm4b:s25+s3], $0xC8, $0x38;
	[tilespmem:$0xCA00] =	vst v63  }
0x31: {  	p0 =	sne.s32 s24, $0x47E;
	_ =	swait.ge [sflag:s13], $0xC8  }
0x32: {  	[sflag:s13] =	ssyncset.done $0x0  }
0x33: {  	[sflag:s13] =	ssyncadd.s32 $0xFFFFFF38  }
0x34: {  	[tilespmem:s17], [sflag:$0x2] =	stream.indirect.gather [hbm4b:s2+s14], $0x80, s16, s14, $0xb8;
	[tilespmem:$0xCA00] =	vst v63  }
0x35: {  	_ =	swait.ge [sflag:s18], $0x6400  }
0x36: {  	[sflag:s18] =	ssyncset.done $0x0  }
0x37: {  	[sflag:s18] =	ssyncadd.s32 $0xFFFF9C00  }
0x38: {  	[hbm4b:s21+s3] =	stream.linear.scatter [tilespmem:s15], [sflag:$0x3], $0x6400, $0x38;
	[tilespmem:$0xCA00] =	vst v63  }
0x39: {  	_ =	swait.ge [sflag:s13], $0x6400  }
0x3a: {  	s24 =	sshrl.u32 s22, $0x3;
	[sflag:s13] =	ssyncset.done $0x0  }
0x3b: {  	s24 =	sadd.s32 s4, s24;
	[sflag:s13] =	ssyncadd.s32 $0xFFFF9C00  }
0x3c: {  	[tilespmem:s3], [sflag:$0x3] =	stream.linear.gather [hbm4b:s24+s3], $0xC8, $0x38;
	[tilespmem:$0xCA00] =	vst v63  }
0x3d: {  	_ =	swait.ge [sflag:s13], $0xC8  }
0x3e: {  	[sflag:s13] =	ssyncset.done $0x0  }
0x3f: {  	[sflag:s13] =	ssyncadd.s32 $0xFFFFFF38  }
0x40: {  	[tilespmem:s15], [sflag:$0x1] =	stream.indirect.gather [hbm4b:s2+s14], $0x80, s3, s14, $0xb8;
	[tilespmem:$0xCA00] =	vst v63  }
0x41: {  	_ =	swait.ge [sflag:s19], $0x6400  }
.Ltmp0:
0x42: {  	[sflag:s19] =	ssyncset.done $0x0;
	(pc) =	sbr.rel @p0 .LBB2_2-.Ltmp0, $4  }
0x43: {  	s24 =	sadd.s32 $0xC80, s21;
	[sflag:s19] =	ssyncadd.s32 $0xFFFF9C00  }
0x44: {  	[hbm4b:s24+s3] =	stream.linear.scatter [tilespmem:s17], [sflag:$0x3], $0x6400, $0x38;
	[tilespmem:$0xCA00] =	vst v63  }
0x45: {  	s22 =	sadd.s32 $0x190, s22;
	_ =	swait.ge [sflag:s13], $0x6400  }
0x46: {  	s21 =	sadd.s32 $0x1900, s21;
	s24 =	smov.u32 s26;
	[sflag:s13] =	ssyncset.done $0x0  }
0x47: {  	s23 =	sadd.s32 s23, s12;
	[sflag:s13] =	ssyncadd.s32 $0xFFFF9C00  }
0x48: {  	[tilespmem:s16], [sflag:$0x3] =	stream.linear.gather [hbm4b:s23+s3], $0xC8, $0x38;
	[tilespmem:$0xCA00] =	vst v63  }
0x49: {  	_ =	swait.ge [sflag:s13], $0xC8  }
0x4a: {  	[sflag:s13] =	ssyncset.done $0x0  }
0x4b: {  	[sflag:s13] =	ssyncadd.s32 $0xFFFFFF38  }
0x4c: {  	[tilespmem:s17], [sflag:$0x2] =	stream.indirect.gather [hbm4b:s2+s14], $0x80, s16, s14, $0xb8;
	[tilespmem:$0xCA00] =	vst v63  }
0x4d: {  	_ =	swait.ge [sflag:s18], $0x6400  }
0x4e: {  	[sflag:s18] =	ssyncset.done $0x0  }
0x4f: {  	[sflag:s18] =	ssyncadd.s32 $0xFFFF9C00  }
0x50: {  	[hbm4b:s21+s3] =	stream.linear.scatter [tilespmem:s15], [sflag:$0x3], $0x6400, $0x38;
	[tilespmem:$0xCA00] =	vst v63  }
0x51: {  	_ =	swait.ge [sflag:s13], $0x6400  }
0x52: {  	s22 =	sshrl.u32 s22, $0x3;
	[sflag:s13] =	ssyncset.done $0x0  }
0x53: {  	s22 =	sadd.s32 s4, s22;
	[sflag:s13] =	ssyncadd.s32 $0xFFFF9C00  }
0x54: {  	[tilespmem:s3], [sflag:$0x3] =	stream.linear.gather [hbm4b:s22+s3], $0xC8, $0x38;
	[tilespmem:$0xCA00] =	vst v63  }
0x55: {  	_ =	swait.ge [sflag:s13], $0xC8  }
0x56: {  	[sflag:s13] =	ssyncset.done $0x0  }
0x57: {  	[sflag:s13] =	ssyncadd.s32 $0xFFFFFF38  }
0x58: {  	[tilespmem:s15], [sflag:$0x1] =	stream.indirect.gather [hbm4b:s2+s14], $0x80, s3, s14, $0xb8;
	[tilespmem:$0xCA00] =	vst v63  }
0x59: {  	_ =	swait.ge [sflag:s19], $0x6400  }
0x5a: {  	[sflag:s19] =	ssyncset.done $0x0  }
0x5b: {  	s31 =	sadd.s32 $0xC80, s21;
	[sflag:s19] =	ssyncadd.s32 $0xFFFF9C00  }
0x5c: {  	[hbm4b:s31+s3] =	stream.linear.scatter [tilespmem:s17], [sflag:$0x3], $0x6400, $0x38;
	[tilespmem:$0xCA00] =	vst v63  }
0x5d: {  	_ =	swait.ge [sflag:s13], $0x6400  }
0x5e: {  	[sflag:s13] =	ssyncset.done $0x0  }
0x5f: {  	[sflag:s13] =	ssyncadd.s32 $0xFFFF9C00  }
0x60: {  	[tilespmem:s16], [sflag:$0x3] =	stream.linear.gather [hbm4b:s7+s3], $0xC8, $0x38;
	[tilespmem:$0xCA00] =	vst v63  }
0x61: {  	_ =	swait.ge [sflag:s13], $0xC8  }
0x62: {  	[sflag:s13] =	ssyncset.done $0x0  }
0x63: {  	[sflag:s13] =	ssyncadd.s32 $0xFFFFFF38  }
0x64: {  	[tilespmem:s17], [sflag:$0x2] =	stream.indirect.gather [hbm4b:s2+s14], $0x80, s16, s14, $0xb8;
	[tilespmem:$0xCA00] =	vst v63  }
0x65: {  	_ =	swait.ge [sflag:s18], $0x6400  }
0x66: {  	[sflag:s18] =	ssyncset.done $0x0  }
0x67: {  	[sflag:s18] =	ssyncadd.s32 $0xFFFF9C00  }
0x68: {  	[hbm4b:s8+s3] =	stream.linear.scatter [tilespmem:s15], [sflag:$0x3], $0x6400, $0x38;
	[tilespmem:$0xCA00] =	vst v63  }
0x69: {  	_ =	swait.ge [sflag:s13], $0x6400  }
0x6a: {  	[sflag:s13] =	ssyncset.done $0x0  }
0x6b: {  	[sflag:s13] =	ssyncadd.s32 $0xFFFF9C00  }
0x6c: {  	s20 =	sadd.s32 $0x1, s20;
	_ =	swait.ge [sflag:s19], $0x6400  }
0x6d: {  	p0 =	sne.s32 s20, s6;
	[sflag:s19] =	ssyncset.done $0x0  }
.Ltmp1:
0x6e: {  	[sflag:s19] =	ssyncadd.s32 $0xFFFF9C00;
	(pc) =	sbr.rel @p0 .LBB2_1-.Ltmp1, $4  }
0x6f: {  	[hbm4b:s9+s3] =	stream.linear.scatter [tilespmem:s17], [sflag:$0x3], $0x6400, $0x38;
	[tilespmem:$0xCA00] =	vst v63  }
0x70: {  	_ =	swait.ge [sflag:s13], $0x6400  }
0x71: {  	[sflag:s13] =	ssyncset.done $0x0  }
0x72: {  	[sflag:s13] =	ssyncadd.s32 $0xFFFF9C00  }
0x73: {  	_ =	sfence.sel $0x180000  }
0x74: {  	[bflag:$0x0] =	sbarrier.arrive $0xFFFF  }
0x75: {  	p0 =	sne.s32 s0, $0x0;
	_ =	strace $0x90000047  }
0x76: {  	s0 =	sadd.s32 @!p0 $0x100000, s1;
	[bflag:$0x2] =	sbarrier.arrive $0xFFFF  }
0x77: {  	[sflag:s0] =	ssyncadd.tile.s32 @!p0 $0x1;
	_ =	shalt  }
.Lfunc_end2:
_tile_overlayer_lowered:
.L_overlay_start_2:
0x78: {  	(tag) =	ssettag $0x2  }
0x79: {  	s0 =	rddreg [dreg:$0x0];
	s2 =	stileid.u32  }
0x7a: {  	s1 =	rddreg [dreg:$0x1];
	p0 =	sne.s32 s2, $0x0  }
0x7b: {  	s3 =	rddreg [dreg:$0x2];
	[bflag:$0x3] =	sbarrier.arrive $0xFFFF;
	s2 =	simm.s32 @!p0 $0x1C03  }
0x7c: {  	[timem:s3], [sflag:s2] =	dma.local @!p0 [hbm:s0], s1  }
0x7d: {  	s0 =	simm.s32 @!p0 $0x3  }
0x7e: {  	_ =	swait.ge @!p0 [sflag:s0], s1  }
0x7f: {  	s1 =	ssub.s32 @!p0 $0x0, s1;
	[sflag:s0] =	ssyncset.done @!p0 $0x0  }
0x80: {  	[sflag:s0] =	ssyncadd.s32 @!p0 s1  }
0x81: {  	[bflag:$0x3] =	sbarrier.arrive $0xFFFF  }
0x82: {  	_ =	shalt  }

</sc_bundles>
